<compile_context>
chip_gen: v7x
topology: tpu7x:2x2x1
jax: 0.10.2.dev20260603
libtpu: 0.0.44.dev20260713+nightly
codegen_flags: <defaults>
</compile_context>

<pallas_src>
import functools

import jax
import jax.numpy as jnp
from jax import lax
from jax.experimental import pallas as pl
from jax.experimental.pallas import tpu as pltpu
from jax.experimental.pallas import tpu_sc as plsc

N = 50000
E = 319600
K_SPRING = 20.0

NC = 2
NS = 16
NW = NC * NS
PB = 128
NSTEP = 80
CHUNK = NSTEP * PB
E_PAD = NW * CHUNK
ROWS_PER_TILE = 3128
N_PAD = NS * ROWS_PER_TILE


def _bond_body(xcol, ycol, zcol, src_hbm, dst_hbm, r0_hbm, zeros_hbm,
               e_out, gxo, gyo, gzo,
               src_v, dst_v, r0_v,
               xs_b, ys_b, zs_b, xd_b, yd_b, zd_b,
               gxp, gyp, gzp, gxn, gyn, gzn,
               eacc, zbuf, gx_sh, gy_sh, gz_sh):
    cid = lax.axis_index("c")
    sid = lax.axis_index("s")
    wid = cid * NS + sid

    pltpu.sync_copy(src_hbm.at[wid], src_v)
    pltpu.sync_copy(dst_hbm.at[wid], dst_v)
    pltpu.sync_copy(r0_hbm.at[pl.ds(wid * CHUNK, CHUNK)], r0_v)

    sl = pl.ds(sid * ROWS_PER_TILE, ROWS_PER_TILE)
    pltpu.sync_copy(zeros_hbm, zbuf)
    pltpu.sync_copy(zbuf, gx_sh.at[sl])
    pltpu.sync_copy(zbuf, gy_sh.at[sl])
    pltpu.sync_copy(zbuf, gz_sh.at[sl])

    eacc[...] = jnp.zeros((16,), jnp.float32)
    plsc.subcore_barrier()

    lane = lax.iota(jnp.int32, 16)
    base_bond = wid * CHUNK
    kf = jnp.float32(K_SPRING)
    k2 = jnp.float32(2.0 * K_SPRING)

    def step(j, carry):
        idx_s = src_v.at[j]
        idx_d = dst_v.at[j]
        pltpu.sync_copy(xcol.at[idx_s], xs_b)
        pltpu.sync_copy(ycol.at[idx_s], ys_b)
        pltpu.sync_copy(zcol.at[idx_s], zs_b)
        pltpu.sync_copy(xcol.at[idx_d], xd_b)
        pltpu.sync_copy(ycol.at[idx_d], yd_b)
        pltpu.sync_copy(zcol.at[idx_d], zd_b)
        for g in range(PB // 16):
            s16 = pl.ds(g * 16, 16)
            dx = xs_b[s16] - xd_b[s16]
            dy = ys_b[s16] - yd_b[s16]
            dz = zs_b[s16] - zd_b[s16]
            r2 = dx * dx + dy * dy + dz * dz
            i = lax.bitcast_convert_type(r2, jnp.int32)
            i = jnp.int32(0x5F3759DF) - lax.shift_right_logical(i, 1)
            y = lax.bitcast_convert_type(i, jnp.float32)
            h = jnp.float32(0.5) * r2
            for _ in range(3):
                y = y * (jnp.float32(1.5) - h * y * y)
            r = r2 * y
            diff = r - r0_v[pl.ds(j * PB + g * 16, 16)]
            valid = (base_bond + j * PB + g * 16 + lane) < E
            e = jnp.where(valid, kf * diff * diff, jnp.float32(0.0))
            eacc[...] = eacc[...] + e
            c = jnp.where(valid, k2 * diff * y, jnp.float32(0.0))
            gx = c * dx
            gy = c * dy
            gz = c * dz
            gxp[s16] = gx
            gyp[s16] = gy
            gzp[s16] = gz
            gxn[s16] = -gx
            gyn[s16] = -gy
            gzn[s16] = -gz
        pltpu.sync_copy(gxp, gx_sh.at[idx_s], add=True)
        pltpu.sync_copy(gyp, gy_sh.at[idx_s], add=True)
        pltpu.sync_copy(gzp, gz_sh.at[idx_s], add=True)
        pltpu.sync_copy(gxn, gx_sh.at[idx_d], add=True)
        pltpu.sync_copy(gyn, gy_sh.at[idx_d], add=True)
        pltpu.sync_copy(gzn, gz_sh.at[idx_d], add=True)
        return carry

    lax.fori_loop(0, NSTEP, step, 0)

    plsc.subcore_barrier()
    osl = pl.ds(cid * N_PAD + sid * ROWS_PER_TILE, ROWS_PER_TILE)
    pltpu.sync_copy(gx_sh.at[sl], zbuf)
    pltpu.sync_copy(zbuf, gxo.at[osl])
    pltpu.sync_copy(gy_sh.at[sl], zbuf)
    pltpu.sync_copy(zbuf, gyo.at[osl])
    pltpu.sync_copy(gz_sh.at[sl], zbuf)
    pltpu.sync_copy(zbuf, gzo.at[osl])
    pltpu.sync_copy(eacc, e_out.at[pl.ds(wid * 16, 16)])


@functools.partial(
    pl.kernel,
    mesh=plsc.VectorSubcoreMesh(core_axis_name="c", subcore_axis_name="s"),
    out_type=[
        jax.ShapeDtypeStruct((NW * 16,), jnp.float32),
        jax.ShapeDtypeStruct((NC * N_PAD,), jnp.float32),
        jax.ShapeDtypeStruct((NC * N_PAD,), jnp.float32),
        jax.ShapeDtypeStruct((NC * N_PAD,), jnp.float32),
    ],
    scratch_types=[
        pltpu.VMEM((NSTEP, PB), jnp.int32),
        pltpu.VMEM((NSTEP, PB), jnp.int32),
        pltpu.VMEM((CHUNK,), jnp.float32),
        pltpu.VMEM((PB,), jnp.float32),
        pltpu.VMEM((PB,), jnp.float32),
        pltpu.VMEM((PB,), jnp.float32),
        pltpu.VMEM((PB,), jnp.float32),
        pltpu.VMEM((PB,), jnp.float32),
        pltpu.VMEM((PB,), jnp.float32),
        pltpu.VMEM((PB,), jnp.float32),
        pltpu.VMEM((PB,), jnp.float32),
        pltpu.VMEM((PB,), jnp.float32),
        pltpu.VMEM((PB,), jnp.float32),
        pltpu.VMEM((PB,), jnp.float32),
        pltpu.VMEM((PB,), jnp.float32),
        pltpu.VMEM((16,), jnp.float32),
        pltpu.VMEM((ROWS_PER_TILE,), jnp.float32),
        pltpu.VMEM_SHARED((N_PAD,), jnp.float32),
        pltpu.VMEM_SHARED((N_PAD,), jnp.float32),
        pltpu.VMEM_SHARED((N_PAD,), jnp.float32),
    ],
)
def _bond_sc(xcol, ycol, zcol, src, dst, r0, zeros, e_out, gxo, gyo, gzo,
             *scratch):
    _bond_body(xcol, ycol, zcol, src, dst, r0, zeros, e_out, gxo, gyo, gzo,
               *scratch)


def kernel(nxyz, bonds, bond_len, num_bonds):
    del num_bonds
    pad = E_PAD - E
    src = jnp.concatenate([bonds[:, 0], jnp.zeros((pad,), jnp.int32)])
    dst = jnp.concatenate([bonds[:, 1], jnp.ones((pad,), jnp.int32)])
    r0 = jnp.concatenate([bond_len[:, 0], jnp.ones((pad,), jnp.float32)])
    src = src.reshape(NW, NSTEP, PB)
    dst = dst.reshape(NW, NSTEP, PB)
    xcol = nxyz[:, 1]
    ycol = nxyz[:, 2]
    zcol = nxyz[:, 3]
    zeros = jnp.zeros((ROWS_PER_TILE,), jnp.float32)
    e_parts, gxo, gyo, gzo = _bond_sc(xcol, ycol, zcol, src, dst, r0, zeros)
    energy = jnp.sum(e_parts)
    gx = gxo[:N] + gxo[N_PAD:N_PAD + N]
    gy = gyo[:N] + gyo[N_PAD:N_PAD + N]
    gz = gzo[:N] + gzo[N_PAD:N_PAD + N]
    grad = jnp.stack([gx, gy, gz], axis=1)
    return energy, grad

# --- scband reference (transcript-rebuilt; emitter-appended) ---
"""Pipeline reference for scband-bond-prior-2319282340443 (READ-ONLY COPY).

The authoritative reference and input builder live on the scoring server;
editing this copy changes nothing except your own understanding.
"""

import jax, jax.numpy as jnp
import numpy as np

N = 50000
E = 319600
B = 800
K_SPRING = 20.0


def setup_inputs(seed: int = 0) -> dict:
    key = jax.random.key(seed)
    k1, k2, k3, k4 = jax.random.split(key, 4)
    nxyz = jax.random.normal(k1, (N, 4), dtype=jnp.float32) * 5.0
    src = jax.random.randint(k2, (E,), 0, N)
    off = jax.random.randint(k3, (E,), 1, N)
    dst = (src + off) % N  # guarantee src != dst so r > 0 (sqrt differentiable)
    bonds = jnp.stack([src, dst], axis=1).astype(jnp.int32)
    bond_len = (jax.random.uniform(k4, (E, 1), dtype=jnp.float32) * 2.0 + 0.5)
    num_bonds = jnp.arange(B, dtype=jnp.int32)  # sums to E = B*(B-1)/2 = 319600
    return {"nxyz": nxyz, "bonds": bonds, "bond_len": bond_len, "num_bonds": num_bonds}


def reference(nxyz, bonds, bond_len, num_bonds):
    k = K_SPRING
    n_mol = num_bonds.shape[0]
    seg_ids = jnp.repeat(jnp.arange(n_mol), num_bonds, total_repeat_length=bonds.shape[0])
    r0 = jnp.squeeze(bond_len)

    def energy_per_mol(xyz):
        d = xyz[bonds[:, 0]] - xyz[bonds[:, 1]]
        r = jnp.sqrt(jnp.sum(d * d, axis=-1))
        e = k * (r - r0) ** 2
        # torch.split + per-chunk sum + stack == segment_sum over molecule ids
        return jax.ops.segment_sum(e, seg_ids, num_segments=n_mol)

    xyz = nxyz[:, 1:4]
    E_mol = energy_per_mol(xyz)
    energy = jnp.sum(E_mol)
    # compute_grad(inputs=xyz, output=E) with ones cotangent == grad of E.sum() wrt xyz
    energy_grad = jax.grad(lambda x: jnp.sum(energy_per_mol(x)))(xyz)
    return energy, energy_grad

if __name__ == "__main__":
    import jax
    _d = setup_inputs()
    print(jax.jit(kernel)(*tuple(_d.values())))

</pallas_src>

<mosaic_0001>
#map = affine_map<(d0, d1) -> (0)>
#map1 = affine_map<(d0, d1) -> (0, 0, 0)>
module attributes {stable_mosaic.version = 14 : i64} {
  func.func @_bond_sc(%arg0: i32, %arg1: i32, %arg2: memref<50000xf32, #tpu.memory_space<hbm>>, %arg3: memref<50000xf32, #tpu.memory_space<hbm>>, %arg4: memref<50000xf32, #tpu.memory_space<hbm>>, %arg5: memref<32x80x128xi32, #tpu.memory_space<hbm>>, %arg6: memref<32x80x128xi32, #tpu.memory_space<hbm>>, %arg7: memref<327680xf32, #tpu.memory_space<hbm>>, %arg8: memref<3128xf32, #tpu.memory_space<hbm>>, %arg9: memref<512xf32, #tpu.memory_space<hbm>>, %arg10: memref<100096xf32, #tpu.memory_space<hbm>>, %arg11: memref<100096xf32, #tpu.memory_space<hbm>>, %arg12: memref<100096xf32, #tpu.memory_space<hbm>>, %arg13: memref<80x128xi32, #tpu.memory_space<vmem>>, %arg14: memref<80x128xi32, #tpu.memory_space<vmem>>, %arg15: memref<10240xf32, #tpu.memory_space<vmem>>, %arg16: memref<128xf32, #tpu.memory_space<vmem>>, %arg17: memref<128xf32, #tpu.memory_space<vmem>>, %arg18: memref<128xf32, #tpu.memory_space<vmem>>, %arg19: memref<128xf32, #tpu.memory_space<vmem>>, %arg20: memref<128xf32, #tpu.memory_space<vmem>>, %arg21: memref<128xf32, #tpu.memory_space<vmem>>, %arg22: memref<128xf32, #tpu.memory_space<vmem>>, %arg23: memref<128xf32, #tpu.memory_space<vmem>>, %arg24: memref<128xf32, #tpu.memory_space<vmem>>, %arg25: memref<128xf32, #tpu.memory_space<vmem>>, %arg26: memref<128xf32, #tpu.memory_space<vmem>>, %arg27: memref<128xf32, #tpu.memory_space<vmem>>, %arg28: memref<16xf32, #tpu.memory_space<vmem>>, %arg29: memref<3128xf32, #tpu.memory_space<vmem>>, %arg30: memref<50048xf32, #tpu.memory_space<vmem_shared>>, %arg31: memref<50048xf32, #tpu.memory_space<vmem_shared>>, %arg32: memref<50048xf32, #tpu.memory_space<vmem_shared>>) attributes {dimension_semantics = [#tpu.dimension_semantics<core_parallel>, #tpu.dimension_semantics<subcore_parallel>], iteration_bounds = array<i64: 2, 16>, scalar_prefetch = 0 : i64, scratch_operands = 20 : i64, tpu.core_type = #tpu.core_type<sc_vector_subcore>, window_params = [{transform_indices = #map}, {transform_indices = #map}, {transform_indices = #map}, {transform_indices = #map1}, {transform_indices = #map1}, {transform_indices = #map}, {transform_indices = #map}, {transform_indices = #map}, {transform_indices = #map}, {transform_indices = #map}, {transform_indices = #map}]} {
    %mul3A = arith.constant 16 : i32
    %mul3A_0 = arith.muli %arg0, %mul3A : i32
    %add3A = arith.addi %mul3A_0, %arg1 : i32
    "tpu.region"() ({
      %run_scoped3A = tpu.sem_alloc : memref<!tpu.dma_semaphore, #tpu.memory_space<semaphore_mem>>
      %dma_start3A = arith.constant 0 : i32
      %dma_start3A_26 = arith.constant 0 : i32
      %dma_start3A_27 = tpu.memref_slice %arg5[%add3A, %dma_start3A, %dma_start3A_26] : memref<32x80x128xi32, #tpu.memory_space<hbm>> -> memref<1x80x128xi32, #tpu.memory_space<hbm>>
      %dma_start3A_28 = tpu.memref_squeeze %dma_start3A_27 : memref<1x80x128xi32, #tpu.memory_space<hbm>> -> memref<80x128xi32, #tpu.memory_space<hbm>>
      %dma_start3A_29 = arith.constant 0 : i32
      %dma_start3A_30 = arith.constant 0 : i32
      %dma_start3A_31 = tpu.memref_slice %arg5[%add3A, %dma_start3A_29, %dma_start3A_30] : memref<32x80x128xi32, #tpu.memory_space<hbm>> -> memref<1x80x128xi32, #tpu.memory_space<hbm>>
      %dma_start3A_32 = tpu.memref_squeeze %dma_start3A_31 : memref<1x80x128xi32, #tpu.memory_space<hbm>> -> memref<80x128xi32, #tpu.memory_space<hbm>>
      tpu.enqueue_dma source(%dma_start3A_32 : memref<80x128xi32, #tpu.memory_space<hbm>>) target(%arg13 : memref<80x128xi32, #tpu.memory_space<vmem>>) target_semaphore(%run_scoped3A : memref<!tpu.dma_semaphore, #tpu.memory_space<semaphore_mem>>)
      %dma_wait3A = arith.constant 0 : i32
      %dma_wait3A_33 = arith.constant 0 : i32
      %dma_wait3A_34 = tpu.memref_slice %arg5[%add3A, %dma_wait3A, %dma_wait3A_33] : memref<32x80x128xi32, #tpu.memory_space<hbm>> -> memref<1x80x128xi32, #tpu.memory_space<hbm>>
      %dma_wait3A_35 = tpu.memref_squeeze %dma_wait3A_34 : memref<1x80x128xi32, #tpu.memory_space<hbm>> -> memref<80x128xi32, #tpu.memory_space<hbm>>
      %dma_wait3A_36 = arith.constant 0 : i32
      %dma_wait3A_37 = arith.constant 0 : i32
      %dma_wait3A_38 = tpu.memref_slice %arg5[%add3A, %dma_wait3A_36, %dma_wait3A_37] : memref<32x80x128xi32, #tpu.memory_space<hbm>> -> memref<1x80x128xi32, #tpu.memory_space<hbm>>
      %dma_wait3A_39 = tpu.memref_squeeze %dma_wait3A_38 : memref<1x80x128xi32, #tpu.memory_space<hbm>> -> memref<80x128xi32, #tpu.memory_space<hbm>>
      tpu.wait_dma2 semaphore(%run_scoped3A : memref<!tpu.dma_semaphore, #tpu.memory_space<semaphore_mem>>) src(%dma_wait3A_39 : memref<80x128xi32, #tpu.memory_space<hbm>>) dst(%arg13 : memref<80x128xi32, #tpu.memory_space<vmem>>)
      tpu.yield
    }) : () -> ()
    "tpu.region"() ({
      %run_scoped3A = tpu.sem_alloc : memref<!tpu.dma_semaphore, #tpu.memory_space<semaphore_mem>>
      %dma_start3A = arith.constant 0 : i32
      %dma_start3A_26 = arith.constant 0 : i32
      %dma_start3A_27 = tpu.memref_slice %arg6[%add3A, %dma_start3A, %dma_start3A_26] : memref<32x80x128xi32, #tpu.memory_space<hbm>> -> memref<1x80x128xi32, #tpu.memory_space<hbm>>
      %dma_start3A_28 = tpu.memref_squeeze %dma_start3A_27 : memref<1x80x128xi32, #tpu.memory_space<hbm>> -> memref<80x128xi32, #tpu.memory_space<hbm>>
      %dma_start3A_29 = arith.constant 0 : i32
      %dma_start3A_30 = arith.constant 0 : i32
      %dma_start3A_31 = tpu.memref_slice %arg6[%add3A, %dma_start3A_29, %dma_start3A_30] : memref<32x80x128xi32, #tpu.memory_space<hbm>> -> memref<1x80x128xi32, #tpu.memory_space<hbm>>
      %dma_start3A_32 = tpu.memref_squeeze %dma_start3A_31 : memref<1x80x128xi32, #tpu.memory_space<hbm>> -> memref<80x128xi32, #tpu.memory_space<hbm>>
      tpu.enqueue_dma source(%dma_start3A_32 : memref<80x128xi32, #tpu.memory_space<hbm>>) target(%arg14 : memref<80x128xi32, #tpu.memory_space<vmem>>) target_semaphore(%run_scoped3A : memref<!tpu.dma_semaphore, #tpu.memory_space<semaphore_mem>>)
      %dma_wait3A = arith.constant 0 : i32
      %dma_wait3A_33 = arith.constant 0 : i32
      %dma_wait3A_34 = tpu.memref_slice %arg6[%add3A, %dma_wait3A, %dma_wait3A_33] : memref<32x80x128xi32, #tpu.memory_space<hbm>> -> memref<1x80x128xi32, #tpu.memory_space<hbm>>
      %dma_wait3A_35 = tpu.memref_squeeze %dma_wait3A_34 : memref<1x80x128xi32, #tpu.memory_space<hbm>> -> memref<80x128xi32, #tpu.memory_space<hbm>>
      %dma_wait3A_36 = arith.constant 0 : i32
      %dma_wait3A_37 = arith.constant 0 : i32
      %dma_wait3A_38 = tpu.memref_slice %arg6[%add3A, %dma_wait3A_36, %dma_wait3A_37] : memref<32x80x128xi32, #tpu.memory_space<hbm>> -> memref<1x80x128xi32, #tpu.memory_space<hbm>>
      %dma_wait3A_39 = tpu.memref_squeeze %dma_wait3A_38 : memref<1x80x128xi32, #tpu.memory_space<hbm>> -> memref<80x128xi32, #tpu.memory_space<hbm>>
      tpu.wait_dma2 semaphore(%run_scoped3A : memref<!tpu.dma_semaphore, #tpu.memory_space<semaphore_mem>>) src(%dma_wait3A_39 : memref<80x128xi32, #tpu.memory_space<hbm>>) dst(%arg14 : memref<80x128xi32, #tpu.memory_space<vmem>>)
      tpu.yield
    }) : () -> ()
    %mul3A_1 = arith.constant 10240 : i32
    %mul3A_2 = arith.muli %add3A, %mul3A_1 : i32
    "tpu.region"() ({
      %run_scoped3A = tpu.sem_alloc : memref<!tpu.dma_semaphore, #tpu.memory_space<semaphore_mem>>
      %dma_start3A = tpu.memref_slice %arg7[%mul3A_2] : memref<327680xf32, #tpu.memory_space<hbm>> -> memref<10240xf32, #tpu.memory_space<hbm>>
      %dma_start3A_26 = tpu.memref_slice %arg7[%mul3A_2] : memref<327680xf32, #tpu.memory_space<hbm>> -> memref<10240xf32, #tpu.memory_space<hbm>>
      tpu.enqueue_dma source(%dma_start3A_26 : memref<10240xf32, #tpu.memory_space<hbm>>) target(%arg15 : memref<10240xf32, #tpu.memory_space<vmem>>) target_semaphore(%run_scoped3A : memref<!tpu.dma_semaphore, #tpu.memory_space<semaphore_mem>>)
      %dma_wait3A = tpu.memref_slice %arg7[%mul3A_2] : memref<327680xf32, #tpu.memory_space<hbm>> -> memref<10240xf32, #tpu.memory_space<hbm>>
      %dma_wait3A_27 = tpu.memref_slice %arg7[%mul3A_2] : memref<327680xf32, #tpu.memory_space<hbm>> -> memref<10240xf32, #tpu.memory_space<hbm>>
      tpu.wait_dma2 semaphore(%run_scoped3A : memref<!tpu.dma_semaphore, #tpu.memory_space<semaphore_mem>>) src(%dma_wait3A_27 : memref<10240xf32, #tpu.memory_space<hbm>>) dst(%arg15 : memref<10240xf32, #tpu.memory_space<vmem>>)
      tpu.yield
    }) : () -> ()
    %mul3A_3 = arith.constant 3128 : i32
    %mul3A_4 = arith.muli %arg1, %mul3A_3 : i32
    "tpu.region"() ({
      %run_scoped3A = tpu.sem_alloc : memref<!tpu.dma_semaphore, #tpu.memory_space<semaphore_mem>>
      tpu.enqueue_dma source(%arg8 : memref<3128xf32, #tpu.memory_space<hbm>>) target(%arg29 : memref<3128xf32, #tpu.memory_space<vmem>>) target_semaphore(%run_scoped3A : memref<!tpu.dma_semaphore, #tpu.memory_space<semaphore_mem>>)
      tpu.wait_dma2 semaphore(%run_scoped3A : memref<!tpu.dma_semaphore, #tpu.memory_space<semaphore_mem>>) src(%arg8 : memref<3128xf32, #tpu.memory_space<hbm>>) dst(%arg29 : memref<3128xf32, #tpu.memory_space<vmem>>)
      tpu.yield
    }) : () -> ()
    "tpu.region"() ({
      %run_scoped3A = tpu.sem_alloc : memref<!tpu.dma_semaphore, #tpu.memory_space<semaphore_mem>>
      %dma_start3A = tpu.memref_slice %arg30[%mul3A_4] : memref<50048xf32, #tpu.memory_space<vmem_shared>> -> memref<3128xf32, #tpu.memory_space<vmem_shared>>
      %dma_start3A_26 = tpu.memref_slice %arg30[%mul3A_4] : memref<50048xf32, #tpu.memory_space<vmem_shared>> -> memref<3128xf32, #tpu.memory_space<vmem_shared>>
      tpu.enqueue_dma source(%arg29 : memref<3128xf32, #tpu.memory_space<vmem>>) target(%dma_start3A_26 : memref<3128xf32, #tpu.memory_space<vmem_shared>>) target_semaphore(%run_scoped3A : memref<!tpu.dma_semaphore, #tpu.memory_space<semaphore_mem>>)
      %dma_wait3A = tpu.memref_slice %arg30[%mul3A_4] : memref<50048xf32, #tpu.memory_space<vmem_shared>> -> memref<3128xf32, #tpu.memory_space<vmem_shared>>
      %dma_wait3A_27 = tpu.memref_slice %arg30[%mul3A_4] : memref<50048xf32, #tpu.memory_space<vmem_shared>> -> memref<3128xf32, #tpu.memory_space<vmem_shared>>
      tpu.wait_dma2 semaphore(%run_scoped3A : memref<!tpu.dma_semaphore, #tpu.memory_space<semaphore_mem>>) src(%arg29 : memref<3128xf32, #tpu.memory_space<vmem>>) dst(%dma_wait3A_27 : memref<3128xf32, #tpu.memory_space<vmem_shared>>)
      tpu.yield
    }) : () -> ()
    "tpu.region"() ({
      %run_scoped3A = tpu.sem_alloc : memref<!tpu.dma_semaphore, #tpu.memory_space<semaphore_mem>>
      %dma_start3A = tpu.memref_slice %arg31[%mul3A_4] : memref<50048xf32, #tpu.memory_space<vmem_shared>> -> memref<3128xf32, #tpu.memory_space<vmem_shared>>
      %dma_start3A_26 = tpu.memref_slice %arg31[%mul3A_4] : memref<50048xf32, #tpu.memory_space<vmem_shared>> -> memref<3128xf32, #tpu.memory_space<vmem_shared>>
      tpu.enqueue_dma source(%arg29 : memref<3128xf32, #tpu.memory_space<vmem>>) target(%dma_start3A_26 : memref<3128xf32, #tpu.memory_space<vmem_shared>>) target_semaphore(%run_scoped3A : memref<!tpu.dma_semaphore, #tpu.memory_space<semaphore_mem>>)
      %dma_wait3A = tpu.memref_slice %arg31[%mul3A_4] : memref<50048xf32, #tpu.memory_space<vmem_shared>> -> memref<3128xf32, #tpu.memory_space<vmem_shared>>
      %dma_wait3A_27 = tpu.memref_slice %arg31[%mul3A_4] : memref<50048xf32, #tpu.memory_space<vmem_shared>> -> memref<3128xf32, #tpu.memory_space<vmem_shared>>
      tpu.wait_dma2 semaphore(%run_scoped3A : memref<!tpu.dma_semaphore, #tpu.memory_space<semaphore_mem>>) src(%arg29 : memref<3128xf32, #tpu.memory_space<vmem>>) dst(%dma_wait3A_27 : memref<3128xf32, #tpu.memory_space<vmem_shared>>)
      tpu.yield
    }) : () -> ()
    "tpu.region"() ({
      %run_scoped3A = tpu.sem_alloc : memref<!tpu.dma_semaphore, #tpu.memory_space<semaphore_mem>>
      %dma_start3A = tpu.memref_slice %arg32[%mul3A_4] : memref<50048xf32, #tpu.memory_space<vmem_shared>> -> memref<3128xf32, #tpu.memory_space<vmem_shared>>
      %dma_start3A_26 = tpu.memref_slice %arg32[%mul3A_4] : memref<50048xf32, #tpu.memory_space<vmem_shared>> -> memref<3128xf32, #tpu.memory_space<vmem_shared>>
      tpu.enqueue_dma source(%arg29 : memref<3128xf32, #tpu.memory_space<vmem>>) target(%dma_start3A_26 : memref<3128xf32, #tpu.memory_space<vmem_shared>>) target_semaphore(%run_scoped3A : memref<!tpu.dma_semaphore, #tpu.memory_space<semaphore_mem>>)
      %dma_wait3A = tpu.memref_slice %arg32[%mul3A_4] : memref<50048xf32, #tpu.memory_space<vmem_shared>> -> memref<3128xf32, #tpu.memory_space<vmem_shared>>
      %dma_wait3A_27 = tpu.memref_slice %arg32[%mul3A_4] : memref<50048xf32, #tpu.memory_space<vmem_shared>> -> memref<3128xf32, #tpu.memory_space<vmem_shared>>
      tpu.wait_dma2 semaphore(%run_scoped3A : memref<!tpu.dma_semaphore, #tpu.memory_space<semaphore_mem>>) src(%arg29 : memref<3128xf32, #tpu.memory_space<vmem>>) dst(%dma_wait3A_27 : memref<3128xf32, #tpu.memory_space<vmem_shared>>)
      tpu.yield
    }) : () -> ()
    %broadcast_in_dim3A = arith.constant 0.000000e+00 : f32
    %broadcast_in_dim3A_5 = vector.broadcast %broadcast_in_dim3A : f32 to vector<16xf32>
    %swap3A = arith.constant 0 : index
    %swap3A_6 = tpu.vector_load %arg28[%swap3A] {strides = array<i32>} : memref<16xf32, #tpu.memory_space<vmem>>, vector<16xf32>,
    %swap3A_7 = vector.shape_cast %swap3A_6 : vector<16xf32> to vector<16xf32>
    %swap3A_8 = vector.shape_cast %broadcast_in_dim3A_5 : vector<16xf32> to vector<16xf32>
    tpu.vector_store %arg28[%swap3A], %swap3A_8 {strides = array<i32>} : memref<16xf32, #tpu.memory_space<vmem>>, vector<16xf32>,
    %barrier3A = arith.constant 0 : index
    tpu.barrier barrier_id(%barrier3A)
    %iota3A = tpu.iota {dimensions = array<i32: 0>} : vector<16xi32>
    %mul3A_9 = arith.constant 10240 : i32
    %mul3A_10 = arith.muli %add3A, %mul3A_9 : i32
    %scan3A = arith.constant 0 : i32
    %scan3A_11 = arith.constant 2.000000e+01 : f32
    %scan3A_12 = arith.constant 4.000000e+01 : f32
    %scan3A_13 = arith.constant 0 : i32
    %scan3A_14 = arith.constant 80 : i32
    %scan3A_15 = arith.addi %scan3A_13, %scan3A_14 : i32
    %scan3A_16 = arith.constant 1 : i32
    scf.for %scan3A_26 = %scan3A_13 to %scan3A_15 step %scan3A_16  : i32 {
      "tpu.region"() ({
        %run_scoped3A = tpu.sem_alloc : memref<!tpu.dma_semaphore, #tpu.memory_space<semaphore_mem>>
        %dma_start3A = arith.constant 0 : i32
        %dma_start3A_1059 = tpu.memref_slice %arg13[%scan3A_26, %dma_start3A] : memref<80x128xi32, #tpu.memory_space<vmem>> -> memref<1x128xi32, #tpu.memory_space<vmem>>
        %dma_start3A_1060 = tpu.memref_squeeze %dma_start3A_1059 : memref<1x128xi32, #tpu.memory_space<vmem>> -> memref<128xi32, #tpu.memory_space<vmem>>
        %dma_start3A_1061 = arith.constant 0 : i32
        %dma_start3A_1062 = tpu.memref_slice %arg2[%dma_start3A_1061] : memref<50000xf32, #tpu.memory_space<hbm>> -> memref<50000xf32, #tpu.memory_space<hbm>>
        tpu.enqueue_indirect_dma source(%dma_start3A_1062 : memref<50000xf32, #tpu.memory_space<hbm>>) target(%arg16 : memref<128xf32, #tpu.memory_space<vmem>>) offsets(%dma_start3A_1060 : memref<128xi32, #tpu.memory_space<vmem>>) semaphore(%run_scoped3A : memref<!tpu.dma_semaphore, #tpu.memory_space<semaphore_mem>>)
        %dma_wait3A = arith.constant 0 : i32
        %dma_wait3A_1063 = tpu.memref_slice %arg13[%scan3A_26, %dma_wait3A] : memref<80x128xi32, #tpu.memory_space<vmem>> -> memref<1x128xi32, #tpu.memory_space<vmem>>
        %dma_wait3A_1064 = tpu.memref_squeeze %dma_wait3A_1063 : memref<1x128xi32, #tpu.memory_space<vmem>> -> memref<128xi32, #tpu.memory_space<vmem>>
        %dma_wait3A_1065 = arith.constant 0 : i32
        %dma_wait3A_1066 = tpu.memref_slice %arg2[%dma_wait3A_1065] : memref<50000xf32, #tpu.memory_space<hbm>> -> memref<50000xf32, #tpu.memory_space<hbm>>
        tpu.wait_indirect_dma semaphore(%run_scoped3A : memref<!tpu.dma_semaphore, #tpu.memory_space<semaphore_mem>>) src(%dma_wait3A_1066 : memref<50000xf32, #tpu.memory_space<hbm>>) dst(%arg16 : memref<128xf32, #tpu.memory_space<vmem>>)
        tpu.yield
      }) : () -> ()
      "tpu.region"() ({
        %run_scoped3A = tpu.sem_alloc : memref<!tpu.dma_semaphore, #tpu.memory_space<semaphore_mem>>
        %dma_start3A = arith.constant 0 : i32
        %dma_start3A_1059 = tpu.memref_slice %arg13[%scan3A_26, %dma_start3A] : memref<80x128xi32, #tpu.memory_space<vmem>> -> memref<1x128xi32, #tpu.memory_space<vmem>>
        %dma_start3A_1060 = tpu.memref_squeeze %dma_start3A_1059 : memref<1x128xi32, #tpu.memory_space<vmem>> -> memref<128xi32, #tpu.memory_space<vmem>>
        %dma_start3A_1061 = arith.constant 0 : i32
        %dma_start3A_1062 = tpu.memref_slice %arg3[%dma_start3A_1061] : memref<50000xf32, #tpu.memory_space<hbm>> -> memref<50000xf32, #tpu.memory_space<hbm>>
        tpu.enqueue_indirect_dma source(%dma_start3A_1062 : memref<50000xf32, #tpu.memory_space<hbm>>) target(%arg17 : memref<128xf32, #tpu.memory_space<vmem>>) offsets(%dma_start3A_1060 : memref<128xi32, #tpu.memory_space<vmem>>) semaphore(%run_scoped3A : memref<!tpu.dma_semaphore, #tpu.memory_space<semaphore_mem>>)
        %dma_wait3A = arith.constant 0 : i32
        %dma_wait3A_1063 = tpu.memref_slice %arg13[%scan3A_26, %dma_wait3A] : memref<80x128xi32, #tpu.memory_space<vmem>> -> memref<1x128xi32, #tpu.memory_space<vmem>>
        %dma_wait3A_1064 = tpu.memref_squeeze %dma_wait3A_1063 : memref<1x128xi32, #tpu.memory_space<vmem>> -> memref<128xi32, #tpu.memory_space<vmem>>
        %dma_wait3A_1065 = arith.constant 0 : i32
        %dma_wait3A_1066 = tpu.memref_slice %arg3[%dma_wait3A_1065] : memref<50000xf32, #tpu.memory_space<hbm>> -> memref<50000xf32, #tpu.memory_space<hbm>>
        tpu.wait_indirect_dma semaphore(%run_scoped3A : memref<!tpu.dma_semaphore, #tpu.memory_space<semaphore_mem>>) src(%dma_wait3A_1066 : memref<50000xf32, #tpu.memory_space<hbm>>) dst(%arg17 : memref<128xf32, #tpu.memory_space<vmem>>)
        tpu.yield
      }) : () -> ()
      "tpu.region"() ({
        %run_scoped3A = tpu.sem_alloc : memref<!tpu.dma_semaphore, #tpu.memory_space<semaphore_mem>>
        %dma_start3A = arith.constant 0 : i32
        %dma_start3A_1059 = tpu.memref_slice %arg13[%scan3A_26, %dma_start3A] : memref<80x128xi32, #tpu.memory_space<vmem>> -> memref<1x128xi32, #tpu.memory_space<vmem>>
        %dma_start3A_1060 = tpu.memref_squeeze %dma_start3A_1059 : memref<1x128xi32, #tpu.memory_space<vmem>> -> memref<128xi32, #tpu.memory_space<vmem>>
        %dma_start3A_1061 = arith.constant 0 : i32
        %dma_start3A_1062 = tpu.memref_slice %arg4[%dma_start3A_1061] : memref<50000xf32, #tpu.memory_space<hbm>> -> memref<50000xf32, #tpu.memory_space<hbm>>
        tpu.enqueue_indirect_dma source(%dma_start3A_1062 : memref<50000xf32, #tpu.memory_space<hbm>>) target(%arg18 : memref<128xf32, #tpu.memory_space<vmem>>) offsets(%dma_start3A_1060 : memref<128xi32, #tpu.memory_space<vmem>>) semaphore(%run_scoped3A : memref<!tpu.dma_semaphore, #tpu.memory_space<semaphore_mem>>)
        %dma_wait3A = arith.constant 0 : i32
        %dma_wait3A_1063 = tpu.memref_slice %arg13[%scan3A_26, %dma_wait3A] : memref<80x128xi32, #tpu.memory_space<vmem>> -> memref<1x128xi32, #tpu.memory_space<vmem>>
        %dma_wait3A_1064 = tpu.memref_squeeze %dma_wait3A_1063 : memref<1x128xi32, #tpu.memory_space<vmem>> -> memref<128xi32, #tpu.memory_space<vmem>>
        %dma_wait3A_1065 = arith.constant 0 : i32
        %dma_wait3A_1066 = tpu.memref_slice %arg4[%dma_wait3A_1065] : memref<50000xf32, #tpu.memory_space<hbm>> -> memref<50000xf32, #tpu.memory_space<hbm>>
        tpu.wait_indirect_dma semaphore(%run_scoped3A : memref<!tpu.dma_semaphore, #tpu.memory_space<semaphore_mem>>) src(%dma_wait3A_1066 : memref<50000xf32, #tpu.memory_space<hbm>>) dst(%arg18 : memref<128xf32, #tpu.memory_space<vmem>>)
        tpu.yield
      }) : () -> ()
      "tpu.region"() ({
        %run_scoped3A = tpu.sem_alloc : memref<!tpu.dma_semaphore, #tpu.memory_space<semaphore_mem>>
        %dma_start3A = arith.constant 0 : i32
        %dma_start3A_1059 = tpu.memref_slice %arg14[%scan3A_26, %dma_start3A] : memref<80x128xi32, #tpu.memory_space<vmem>> -> memref<1x128xi32, #tpu.memory_space<vmem>>
        %dma_start3A_1060 = tpu.memref_squeeze %dma_start3A_1059 : memref<1x128xi32, #tpu.memory_space<vmem>> -> memref<128xi32, #tpu.memory_space<vmem>>
        %dma_start3A_1061 = arith.constant 0 : i32
        %dma_start3A_1062 = tpu.memref_slice %arg2[%dma_start3A_1061] : memref<50000xf32, #tpu.memory_space<hbm>> -> memref<50000xf32, #tpu.memory_space<hbm>>
        tpu.enqueue_indirect_dma source(%dma_start3A_1062 : memref<50000xf32, #tpu.memory_space<hbm>>) target(%arg19 : memref<128xf32, #tpu.memory_space<vmem>>) offsets(%dma_start3A_1060 : memref<128xi32, #tpu.memory_space<vmem>>) semaphore(%run_scoped3A : memref<!tpu.dma_semaphore, #tpu.memory_space<semaphore_mem>>)
        %dma_wait3A = arith.constant 0 : i32
        %dma_wait3A_1063 = tpu.memref_slice %arg14[%scan3A_26, %dma_wait3A] : memref<80x128xi32, #tpu.memory_space<vmem>> -> memref<1x128xi32, #tpu.memory_space<vmem>>
        %dma_wait3A_1064 = tpu.memref_squeeze %dma_wait3A_1063 : memref<1x128xi32, #tpu.memory_space<vmem>> -> memref<128xi32, #tpu.memory_space<vmem>>
        %dma_wait3A_1065 = arith.constant 0 : i32
        %dma_wait3A_1066 = tpu.memref_slice %arg2[%dma_wait3A_1065] : memref<50000xf32, #tpu.memory_space<hbm>> -> memref<50000xf32, #tpu.memory_space<hbm>>
        tpu.wait_indirect_dma semaphore(%run_scoped3A : memref<!tpu.dma_semaphore, #tpu.memory_space<semaphore_mem>>) src(%dma_wait3A_1066 : memref<50000xf32, #tpu.memory_space<hbm>>) dst(%arg19 : memref<128xf32, #tpu.memory_space<vmem>>)
        tpu.yield
      }) : () -> ()
      "tpu.region"() ({
        %run_scoped3A = tpu.sem_alloc : memref<!tpu.dma_semaphore, #tpu.memory_space<semaphore_mem>>
        %dma_start3A = arith.constant 0 : i32
        %dma_start3A_1059 = tpu.memref_slice %arg14[%scan3A_26, %dma_start3A] : memref<80x128xi32, #tpu.memory_space<vmem>> -> memref<1x128xi32, #tpu.memory_space<vmem>>
        %dma_start3A_1060 = tpu.memref_squeeze %dma_start3A_1059 : memref<1x128xi32, #tpu.memory_space<vmem>> -> memref<128xi32, #tpu.memory_space<vmem>>
        %dma_start3A_1061 = arith.constant 0 : i32
        %dma_start3A_1062 = tpu.memref_slice %arg3[%dma_start3A_1061] : memref<50000xf32, #tpu.memory_space<hbm>> -> memref<50000xf32, #tpu.memory_space<hbm>>
        tpu.enqueue_indirect_dma source(%dma_start3A_1062 : memref<50000xf32, #tpu.memory_space<hbm>>) target(%arg20 : memref<128xf32, #tpu.memory_space<vmem>>) offsets(%dma_start3A_1060 : memref<128xi32, #tpu.memory_space<vmem>>) semaphore(%run_scoped3A : memref<!tpu.dma_semaphore, #tpu.memory_space<semaphore_mem>>)
        %dma_wait3A = arith.constant 0 : i32
        %dma_wait3A_1063 = tpu.memref_slice %arg14[%scan3A_26, %dma_wait3A] : memref<80x128xi32, #tpu.memory_space<vmem>> -> memref<1x128xi32, #tpu.memory_space<vmem>>
        %dma_wait3A_1064 = tpu.memref_squeeze %dma_wait3A_1063 : memref<1x128xi32, #tpu.memory_space<vmem>> -> memref<128xi32, #tpu.memory_space<vmem>>
        %dma_wait3A_1065 = arith.constant 0 : i32
        %dma_wait3A_1066 = tpu.memref_slice %arg3[%dma_wait3A_1065] : memref<50000xf32, #tpu.memory_space<hbm>> -> memref<50000xf32, #tpu.memory_space<hbm>>
        tpu.wait_indirect_dma semaphore(%run_scoped3A : memref<!tpu.dma_semaphore, #tpu.memory_space<semaphore_mem>>) src(%dma_wait3A_1066 : memref<50000xf32, #tpu.memory_space<hbm>>) dst(%arg20 : memref<128xf32, #tpu.memory_space<vmem>>)
        tpu.yield
      }) : () -> ()
      "tpu.region"() ({
        %run_scoped3A = tpu.sem_alloc : memref<!tpu.dma_semaphore, #tpu.memory_space<semaphore_mem>>
        %dma_start3A = arith.constant 0 : i32
        %dma_start3A_1059 = tpu.memref_slice %arg14[%scan3A_26, %dma_start3A] : memref<80x128xi32, #tpu.memory_space<vmem>> -> memref<1x128xi32, #tpu.memory_space<vmem>>
        %dma_start3A_1060 = tpu.memref_squeeze %dma_start3A_1059 : memref<1x128xi32, #tpu.memory_space<vmem>> -> memref<128xi32, #tpu.memory_space<vmem>>
        %dma_start3A_1061 = arith.constant 0 : i32
        %dma_start3A_1062 = tpu.memref_slice %arg4[%dma_start3A_1061] : memref<50000xf32, #tpu.memory_space<hbm>> -> memref<50000xf32, #tpu.memory_space<hbm>>
        tpu.enqueue_indirect_dma source(%dma_start3A_1062 : memref<50000xf32, #tpu.memory_space<hbm>>) target(%arg21 : memref<128xf32, #tpu.memory_space<vmem>>) offsets(%dma_start3A_1060 : memref<128xi32, #tpu.memory_space<vmem>>) semaphore(%run_scoped3A : memref<!tpu.dma_semaphore, #tpu.memory_space<semaphore_mem>>)
        %dma_wait3A = arith.constant 0 : i32
        %dma_wait3A_1063 = tpu.memref_slice %arg14[%scan3A_26, %dma_wait3A] : memref<80x128xi32, #tpu.memory_space<vmem>> -> memref<1x128xi32, #tpu.memory_space<vmem>>
        %dma_wait3A_1064 = tpu.memref_squeeze %dma_wait3A_1063 : memref<1x128xi32, #tpu.memory_space<vmem>> -> memref<128xi32, #tpu.memory_space<vmem>>
        %dma_wait3A_1065 = arith.constant 0 : i32
        %dma_wait3A_1066 = tpu.memref_slice %arg4[%dma_wait3A_1065] : memref<50000xf32, #tpu.memory_space<hbm>> -> memref<50000xf32, #tpu.memory_space<hbm>>
        tpu.wait_indirect_dma semaphore(%run_scoped3A : memref<!tpu.dma_semaphore, #tpu.memory_space<semaphore_mem>>) src(%dma_wait3A_1066 : memref<50000xf32, #tpu.memory_space<hbm>>) dst(%arg21 : memref<128xf32, #tpu.memory_space<vmem>>)
        tpu.yield
      }) : () -> ()
      %get3A = arith.constant 0 : index
      %get3A_27 = tpu.vector_load %arg16[%get3A] {strides = array<i32>} : memref<128xf32, #tpu.memory_space<vmem>>, vector<16xf32>,
      %get3A_28 = vector.shape_cast %get3A_27 : vector<16xf32> to vector<16xf32>
      %get3A_29 = arith.constant 0 : index
      %get3A_30 = tpu.vector_load %arg19[%get3A_29] {strides = array<i32>} : memref<128xf32, #tpu.memory_space<vmem>>, vector<16xf32>,
      %get3A_31 = vector.shape_cast %get3A_30 : vector<16xf32> to vector<16xf32>
      %sub3A = arith.subf %get3A_28, %get3A_31 : vector<16xf32>
      %get3A_32 = arith.constant 0 : index
      %get3A_33 = tpu.vector_load %arg17[%get3A_32] {strides = array<i32>} : memref<128xf32, #tpu.memory_space<vmem>>, vector<16xf32>,
      %get3A_34 = vector.shape_cast %get3A_33 : vector<16xf32> to vector<16xf32>
      %get3A_35 = arith.constant 0 : index
      %get3A_36 = tpu.vector_load %arg20[%get3A_35] {strides = array<i32>} : memref<128xf32, #tpu.memory_space<vmem>>, vector<16xf32>,
      %get3A_37 = vector.shape_cast %get3A_36 : vector<16xf32> to vector<16xf32>
      %sub3A_38 = arith.subf %get3A_34, %get3A_37 : vector<16xf32>
      %get3A_39 = arith.constant 0 : index
      %get3A_40 = tpu.vector_load %arg18[%get3A_39] {strides = array<i32>} : memref<128xf32, #tpu.memory_space<vmem>>, vector<16xf32>,
      %get3A_41 = vector.shape_cast %get3A_40 : vector<16xf32> to vector<16xf32>
      %get3A_42 = arith.constant 0 : index
      %get3A_43 = tpu.vector_load %arg21[%get3A_42] {strides = array<i32>} : memref<128xf32, #tpu.memory_space<vmem>>, vector<16xf32>,
      %get3A_44 = vector.shape_cast %get3A_43 : vector<16xf32> to vector<16xf32>
      %sub3A_45 = arith.subf %get3A_41, %get3A_44 : vector<16xf32>
      %mul3A_46 = arith.mulf %sub3A, %sub3A : vector<16xf32>
      %mul3A_47 = arith.mulf %sub3A_38, %sub3A_38 : vector<16xf32>
      %add3A_48 = arith.addf %mul3A_46, %mul3A_47 : vector<16xf32>
      %mul3A_49 = arith.mulf %sub3A_45, %sub3A_45 : vector<16xf32>
      %add3A_50 = arith.addf %add3A_48, %mul3A_49 : vector<16xf32>
      %bitcast_convert_type3A = tpu.bitcast %add3A_50 : vector<16xf32> -> vector<16xi32>
      %shift_right_logical3A = arith.constant 1 : i32
      %shift_right_logical3A_51 = vector.broadcast %shift_right_logical3A : i32 to vector<16xi32>
      %shift_right_logical3A_52 = arith.shrui %bitcast_convert_type3A, %shift_right_logical3A_51 : vector<16xi32>
      %sub3A_53 = arith.constant 1597463007 : i32
      %sub3A_54 = vector.broadcast %sub3A_53 : i32 to vector<16xi32>
      %sub3A_55 = arith.subi %sub3A_54, %shift_right_logical3A_52 : vector<16xi32>
      %bitcast_convert_type3A_56 = tpu.bitcast %sub3A_55 : vector<16xi32> -> vector<16xf32>
      %mul3A_57 = arith.constant 5.000000e-01 : f32
      %mul3A_58 = vector.broadcast %mul3A_57 : f32 to vector<16xf32>
      %mul3A_59 = arith.mulf %mul3A_58, %add3A_50 : vector<16xf32>
      %mul3A_60 = arith.mulf %mul3A_59, %bitcast_convert_type3A_56 : vector<16xf32>
      %mul3A_61 = arith.mulf %mul3A_60, %bitcast_convert_type3A_56 : vector<16xf32>
      %sub3A_62 = arith.constant 1.500000e+00 : f32
      %sub3A_63 = vector.broadcast %sub3A_62 : f32 to vector<16xf32>
      %sub3A_64 = arith.subf %sub3A_63, %mul3A_61 : vector<16xf32>
      %mul3A_65 = arith.mulf %bitcast_convert_type3A_56, %sub3A_64 : vector<16xf32>
      %mul3A_66 = arith.mulf %mul3A_59, %mul3A_65 : vector<16xf32>
      %mul3A_67 = arith.mulf %mul3A_66, %mul3A_65 : vector<16xf32>
      %sub3A_68 = arith.constant 1.500000e+00 : f32
      %sub3A_69 = vector.broadcast %sub3A_68 : f32 to vector<16xf32>
      %sub3A_70 = arith.subf %sub3A_69, %mul3A_67 : vector<16xf32>
      %mul3A_71 = arith.mulf %mul3A_65, %sub3A_70 : vector<16xf32>
      %mul3A_72 = arith.mulf %mul3A_59, %mul3A_71 : vector<16xf32>
      %mul3A_73 = arith.mulf %mul3A_72, %mul3A_71 : vector<16xf32>
      %sub3A_74 = arith.constant 1.500000e+00 : f32
      %sub3A_75 = vector.broadcast %sub3A_74 : f32 to vector<16xf32>
      %sub3A_76 = arith.subf %sub3A_75, %mul3A_73 : vector<16xf32>
      %mul3A_77 = arith.mulf %mul3A_71, %sub3A_76 : vector<16xf32>
      %mul3A_78 = arith.mulf %add3A_50, %mul3A_77 : vector<16xf32>
      %mul3A_79 = arith.constant 128 : i32
      %mul3A_80 = arith.muli %scan3A_26, %mul3A_79 : i32
      %add3A_81 = arith.constant 0 : i32
      %add3A_82 = arith.addi %mul3A_80, %add3A_81 : i32
      %get3A_83 = arith.index_cast %add3A_82 : i32 to index
      %get3A_84 = tpu.vector_load %arg15[%get3A_83] {strides = array<i32>} : memref<10240xf32, #tpu.memory_space<vmem>>, vector<16xf32>,
      %get3A_85 = vector.shape_cast %get3A_84 : vector<16xf32> to vector<16xf32>
      %sub3A_86 = arith.subf %mul3A_78, %get3A_85 : vector<16xf32>
      %mul3A_87 = arith.constant 128 : i32
      %mul3A_88 = arith.muli %scan3A_26, %mul3A_87 : i32
      %add3A_89 = arith.addi %mul3A_10, %mul3A_88 : i32
      %add3A_90 = arith.constant 0 : i32
      %add3A_91 = arith.addi %add3A_89, %add3A_90 : i32
      %add3A_92 = vector.broadcast %add3A_91 : i32 to vector<16xi32>
      %add3A_93 = arith.addi %add3A_92, %iota3A : vector<16xi32>
      %lt3A = arith.constant 319600 : i32
      %lt3A_94 = vector.broadcast %lt3A : i32 to vector<16xi32>
      %lt3A_95 = arith.cmpi slt, %add3A_93, %lt3A_94 : vector<16xi32>
      %mul3A_96 = vector.broadcast %scan3A_11 : f32 to vector<16xf32>
      %mul3A_97 = arith.mulf %mul3A_96, %sub3A_86 : vector<16xf32>
      %mul3A_98 = arith.mulf %mul3A_97, %sub3A_86 : vector<16xf32>
      %jit3A = arith.constant 0.000000e+00 : f32
      %broadcast_in_dim3A_99 = vector.broadcast %jit3A : f32 to vector<16xf32>
      %select_n3A = arith.select %lt3A_95, %mul3A_98, %broadcast_in_dim3A_99 : vector<16xi1>, vector<16xf32>
      %get3A_100 = arith.constant 0 : index
      %get3A_101 = tpu.vector_load %arg28[%get3A_100] {strides = array<i32>} : memref<16xf32, #tpu.memory_space<vmem>>, vector<16xf32>,
      %get3A_102 = vector.shape_cast %get3A_101 : vector<16xf32> to vector<16xf32>
      %add3A_103 = arith.addf %get3A_102, %select_n3A : vector<16xf32>
      %swap3A_104 = arith.constant 0 : index
      %swap3A_105 = tpu.vector_load %arg28[%swap3A_104] {strides = array<i32>} : memref<16xf32, #tpu.memory_space<vmem>>, vector<16xf32>,
      %swap3A_106 = vector.shape_cast %swap3A_105 : vector<16xf32> to vector<16xf32>
      %swap3A_107 = vector.shape_cast %add3A_103 : vector<16xf32> to vector<16xf32>
      tpu.vector_store %arg28[%swap3A_104], %swap3A_107 {strides = array<i32>} : memref<16xf32, #tpu.memory_space<vmem>>, vector<16xf32>,
      %mul3A_108 = vector.broadcast %scan3A_12 : f32 to vector<16xf32>
      %mul3A_109 = arith.mulf %mul3A_108, %sub3A_86 : vector<16xf32>
      %mul3A_110 = arith.mulf %mul3A_109, %mul3A_77 : vector<16xf32>
      %jit3A_111 = arith.constant 0.000000e+00 : f32
      %broadcast_in_dim3A_112 = vector.broadcast %jit3A_111 : f32 to vector<16xf32>
      %select_n3A_113 = arith.select %lt3A_95, %mul3A_110, %broadcast_in_dim3A_112 : vector<16xi1>, vector<16xf32>
      %mul3A_114 = arith.mulf %select_n3A_113, %sub3A : vector<16xf32>
      %mul3A_115 = arith.mulf %select_n3A_113, %sub3A_38 : vector<16xf32>
      %mul3A_116 = arith.mulf %select_n3A_113, %sub3A_45 : vector<16xf32>
      %swap3A_117 = arith.constant 0 : index
      %swap3A_118 = tpu.vector_load %arg22[%swap3A_117] {strides = array<i32>} : memref<128xf32, #tpu.memory_space<vmem>>, vector<16xf32>,
      %swap3A_119 = vector.shape_cast %swap3A_118 : vector<16xf32> to vector<16xf32>
      %swap3A_120 = vector.shape_cast %mul3A_114 : vector<16xf32> to vector<16xf32>
      tpu.vector_store %arg22[%swap3A_117], %swap3A_120 {strides = array<i32>} : memref<128xf32, #tpu.memory_space<vmem>>, vector<16xf32>,
      %swap3A_121 = arith.constant 0 : index
      %swap3A_122 = tpu.vector_load %arg23[%swap3A_121] {strides = array<i32>} : memref<128xf32, #tpu.memory_space<vmem>>, vector<16xf32>,
      %swap3A_123 = vector.shape_cast %swap3A_122 : vector<16xf32> to vector<16xf32>
      %swap3A_124 = vector.shape_cast %mul3A_115 : vector<16xf32> to vector<16xf32>
      tpu.vector_store %arg23[%swap3A_121], %swap3A_124 {strides = array<i32>} : memref<128xf32, #tpu.memory_space<vmem>>, vector<16xf32>,
      %swap3A_125 = arith.constant 0 : index
      %swap3A_126 = tpu.vector_load %arg24[%swap3A_125] {strides = array<i32>} : memref<128xf32, #tpu.memory_space<vmem>>, vector<16xf32>,
      %swap3A_127 = vector.shape_cast %swap3A_126 : vector<16xf32> to vector<16xf32>
      %swap3A_128 = vector.shape_cast %mul3A_116 : vector<16xf32> to vector<16xf32>
      tpu.vector_store %arg24[%swap3A_125], %swap3A_128 {strides = array<i32>} : memref<128xf32, #tpu.memory_space<vmem>>, vector<16xf32>,
      %neg3A = arith.constant 0.000000e+00 : f32
      %neg3A_129 = vector.broadcast %neg3A : f32 to vector<16xf32>
      %neg3A_130 = arith.subf %neg3A_129, %mul3A_114 : vector<16xf32>
      %swap3A_131 = arith.constant 0 : index
      %swap3A_132 = tpu.vector_load %arg25[%swap3A_131] {strides = array<i32>} : memref<128xf32, #tpu.memory_space<vmem>>, vector<16xf32>,
      %swap3A_133 = vector.shape_cast %swap3A_132 : vector<16xf32> to vector<16xf32>
      %swap3A_134 = vector.shape_cast %neg3A_130 : vector<16xf32> to vector<16xf32>
      tpu.vector_store %arg25[%swap3A_131], %swap3A_134 {strides = array<i32>} : memref<128xf32, #tpu.memory_space<vmem>>, vector<16xf32>,
      %neg3A_135 = arith.constant 0.000000e+00 : f32
      %neg3A_136 = vector.broadcast %neg3A_135 : f32 to vector<16xf32>
      %neg3A_137 = arith.subf %neg3A_136, %mul3A_115 : vector<16xf32>
      %swap3A_138 = arith.constant 0 : index
      %swap3A_139 = tpu.vector_load %arg26[%swap3A_138] {strides = array<i32>} : memref<128xf32, #tpu.memory_space<vmem>>, vector<16xf32>,
      %swap3A_140 = vector.shape_cast %swap3A_139 : vector<16xf32> to vector<16xf32>
      %swap3A_141 = vector.shape_cast %neg3A_137 : vector<16xf32> to vector<16xf32>
      tpu.vector_store %arg26[%swap3A_138], %swap3A_141 {strides = array<i32>} : memref<128xf32, #tpu.memory_space<vmem>>, vector<16xf32>,
      %neg3A_142 = arith.constant 0.000000e+00 : f32
      %neg3A_143 = vector.broadcast %neg3A_142 : f32 to vector<16xf32>
      %neg3A_144 = arith.subf %neg3A_143, %mul3A_116 : vector<16xf32>
      %swap3A_145 = arith.constant 0 : index
      %swap3A_146 = tpu.vector_load %arg27[%swap3A_145] {strides = array<i32>} : memref<128xf32, #tpu.memory_space<vmem>>, vector<16xf32>,
      %swap3A_147 = vector.shape_cast %swap3A_146 : vector<16xf32> to vector<16xf32>
      %swap3A_148 = vector.shape_cast %neg3A_144 : vector<16xf32> to vector<16xf32>
      tpu.vector_store %arg27[%swap3A_145], %swap3A_148 {strides = array<i32>} : memref<128xf32, #tpu.memory_space<vmem>>, vector<16xf32>,
      %get3A_149 = arith.constant 16 : index
      %get3A_150 = tpu.vector_load %arg16[%get3A_149] {strides = array<i32>} : memref<128xf32, #tpu.memory_space<vmem>>, vector<16xf32>,
      %get3A_151 = vector.shape_cast %get3A_150 : vector<16xf32> to vector<16xf32>
      %get3A_152 = arith.constant 16 : index
      %get3A_153 = tpu.vector_load %arg19[%get3A_152] {strides = array<i32>} : memref<128xf32, #tpu.memory_space<vmem>>, vector<16xf32>,
      %get3A_154 = vector.shape_cast %get3A_153 : vector<16xf32> to vector<16xf32>
      %sub3A_155 = arith.subf %get3A_151, %get3A_154 : vector<16xf32>
      %get3A_156 = arith.constant 16 : index
      %get3A_157 = tpu.vector_load %arg17[%get3A_156] {strides = array<i32>} : memref<128xf32, #tpu.memory_space<vmem>>, vector<16xf32>,
      %get3A_158 = vector.shape_cast %get3A_157 : vector<16xf32> to vector<16xf32>
      %get3A_159 = arith.constant 16 : index
      %get3A_160 = tpu.vector_load %arg20[%get3A_159] {strides = array<i32>} : memref<128xf32, #tpu.memory_space<vmem>>, vector<16xf32>,
      %get3A_161 = vector.shape_cast %get3A_160 : vector<16xf32> to vector<16xf32>
      %sub3A_162 = arith.subf %get3A_158, %get3A_161 : vector<16xf32>
      %get3A_163 = arith.constant 16 : index
      %get3A_164 = tpu.vector_load %arg18[%get3A_163] {strides = array<i32>} : memref<128xf32, #tpu.memory_space<vmem>>, vector<16xf32>,
      %get3A_165 = vector.shape_cast %get3A_164 : vector<16xf32> to vector<16xf32>
      %get3A_166 = arith.constant 16 : index
      %get3A_167 = tpu.vector_load %arg21[%get3A_166] {strides = array<i32>} : memref<128xf32, #tpu.memory_space<vmem>>, vector<16xf32>,
      %get3A_168 = vector.shape_cast %get3A_167 : vector<16xf32> to vector<16xf32>
      %sub3A_169 = arith.subf %get3A_165, %get3A_168 : vector<16xf32>
      %mul3A_170 = arith.mulf %sub3A_155, %sub3A_155 : vector<16xf32>
      %mul3A_171 = arith.mulf %sub3A_162, %sub3A_162 : vector<16xf32>
      %add3A_172 = arith.addf %mul3A_170, %mul3A_171 : vector<16xf32>
      %mul3A_173 = arith.mulf %sub3A_169, %sub3A_169 : vector<16xf32>
      %add3A_174 = arith.addf %add3A_172, %mul3A_173 : vector<16xf32>
      %bitcast_convert_type3A_175 = tpu.bitcast %add3A_174 : vector<16xf32> -> vector<16xi32>
      %shift_right_logical3A_176 = arith.constant 1 : i32
      %shift_right_logical3A_177 = vector.broadcast %shift_right_logical3A_176 : i32 to vector<16xi32>
      %shift_right_logical3A_178 = arith.shrui %bitcast_convert_type3A_175, %shift_right_logical3A_177 : vector<16xi32>
      %sub3A_179 = arith.constant 1597463007 : i32
      %sub3A_180 = vector.broadcast %sub3A_179 : i32 to vector<16xi32>
      %sub3A_181 = arith.subi %sub3A_180, %shift_right_logical3A_178 : vector<16xi32>
      %bitcast_convert_type3A_182 = tpu.bitcast %sub3A_181 : vector<16xi32> -> vector<16xf32>
      %mul3A_183 = arith.constant 5.000000e-01 : f32
      %mul3A_184 = vector.broadcast %mul3A_183 : f32 to vector<16xf32>
      %mul3A_185 = arith.mulf %mul3A_184, %add3A_174 : vector<16xf32>
      %mul3A_186 = arith.mulf %mul3A_185, %bitcast_convert_type3A_182 : vector<16xf32>
      %mul3A_187 = arith.mulf %mul3A_186, %bitcast_convert_type3A_182 : vector<16xf32>
      %sub3A_188 = arith.constant 1.500000e+00 : f32
      %sub3A_189 = vector.broadcast %sub3A_188 : f32 to vector<16xf32>
      %sub3A_190 = arith.subf %sub3A_189, %mul3A_187 : vector<16xf32>
      %mul3A_191 = arith.mulf %bitcast_convert_type3A_182, %sub3A_190 : vector<16xf32>
      %mul3A_192 = arith.mulf %mul3A_185, %mul3A_191 : vector<16xf32>
      %mul3A_193 = arith.mulf %mul3A_192, %mul3A_191 : vector<16xf32>
      %sub3A_194 = arith.constant 1.500000e+00 : f32
      %sub3A_195 = vector.broadcast %sub3A_194 : f32 to vector<16xf32>
      %sub3A_196 = arith.subf %sub3A_195, %mul3A_193 : vector<16xf32>
      %mul3A_197 = arith.mulf %mul3A_191, %sub3A_196 : vector<16xf32>
      %mul3A_198 = arith.mulf %mul3A_185, %mul3A_197 : vector<16xf32>
      %mul3A_199 = arith.mulf %mul3A_198, %mul3A_197 : vector<16xf32>
      %sub3A_200 = arith.constant 1.500000e+00 : f32
      %sub3A_201 = vector.broadcast %sub3A_200 : f32 to vector<16xf32>
      %sub3A_202 = arith.subf %sub3A_201, %mul3A_199 : vector<16xf32>
      %mul3A_203 = arith.mulf %mul3A_197, %sub3A_202 : vector<16xf32>
      %mul3A_204 = arith.mulf %add3A_174, %mul3A_203 : vector<16xf32>
      %mul3A_205 = arith.constant 128 : i32
      %mul3A_206 = arith.muli %scan3A_26, %mul3A_205 : i32
      %add3A_207 = arith.constant 16 : i32
      %add3A_208 = arith.addi %mul3A_206, %add3A_207 : i32
      %get3A_209 = arith.index_cast %add3A_208 : i32 to index
      %get3A_210 = tpu.vector_load %arg15[%get3A_209] {strides = array<i32>} : memref<10240xf32, #tpu.memory_space<vmem>>, vector<16xf32>,
      %get3A_211 = vector.shape_cast %get3A_210 : vector<16xf32> to vector<16xf32>
      %sub3A_212 = arith.subf %mul3A_204, %get3A_211 : vector<16xf32>
      %mul3A_213 = arith.constant 128 : i32
      %mul3A_214 = arith.muli %scan3A_26, %mul3A_213 : i32
      %add3A_215 = arith.addi %mul3A_10, %mul3A_214 : i32
      %add3A_216 = arith.constant 16 : i32
      %add3A_217 = arith.addi %add3A_215, %add3A_216 : i32
      %add3A_218 = vector.broadcast %add3A_217 : i32 to vector<16xi32>
      %add3A_219 = arith.addi %add3A_218, %iota3A : vector<16xi32>
      %lt3A_220 = arith.constant 319600 : i32
      %lt3A_221 = vector.broadcast %lt3A_220 : i32 to vector<16xi32>
      %lt3A_222 = arith.cmpi slt, %add3A_219, %lt3A_221 : vector<16xi32>
      %mul3A_223 = vector.broadcast %scan3A_11 : f32 to vector<16xf32>
      %mul3A_224 = arith.mulf %mul3A_223, %sub3A_212 : vector<16xf32>
      %mul3A_225 = arith.mulf %mul3A_224, %sub3A_212 : vector<16xf32>
      %jit3A_226 = arith.constant 0.000000e+00 : f32
      %broadcast_in_dim3A_227 = vector.broadcast %jit3A_226 : f32 to vector<16xf32>
      %select_n3A_228 = arith.select %lt3A_222, %mul3A_225, %broadcast_in_dim3A_227 : vector<16xi1>, vector<16xf32>
      %get3A_229 = arith.constant 0 : index
      %get3A_230 = tpu.vector_load %arg28[%get3A_229] {strides = array<i32>} : memref<16xf32, #tpu.memory_space<vmem>>, vector<16xf32>,
      %get3A_231 = vector.shape_cast %get3A_230 : vector<16xf32> to vector<16xf32>
      %add3A_232 = arith.addf %get3A_231, %select_n3A_228 : vector<16xf32>
      %swap3A_233 = arith.constant 0 : index
      %swap3A_234 = tpu.vector_load %arg28[%swap3A_233] {strides = array<i32>} : memref<16xf32, #tpu.memory_space<vmem>>, vector<16xf32>,
      %swap3A_235 = vector.shape_cast %swap3A_234 : vector<16xf32> to vector<16xf32>
      %swap3A_236 = vector.shape_cast %add3A_232 : vector<16xf32> to vector<16xf32>
      tpu.vector_store %arg28[%swap3A_233], %swap3A_236 {strides = array<i32>} : memref<16xf32, #tpu.memory_space<vmem>>, vector<16xf32>,
      %mul3A_237 = vector.broadcast %scan3A_12 : f32 to vector<16xf32>
      %mul3A_238 = arith.mulf %mul3A_237, %sub3A_212 : vector<16xf32>
      %mul3A_239 = arith.mulf %mul3A_238, %mul3A_203 : vector<16xf32>
      %jit3A_240 = arith.constant 0.000000e+00 : f32
      %broadcast_in_dim3A_241 = vector.broadcast %jit3A_240 : f32 to vector<16xf32>
      %select_n3A_242 = arith.select %lt3A_222, %mul3A_239, %broadcast_in_dim3A_241 : vector<16xi1>, vector<16xf32>
      %mul3A_243 = arith.mulf %select_n3A_242, %sub3A_155 : vector<16xf32>
      %mul3A_244 = arith.mulf %select_n3A_242, %sub3A_162 : vector<16xf32>
      %mul3A_245 = arith.mulf %select_n3A_242, %sub3A_169 : vector<16xf32>
      %swap3A_246 = arith.constant 16 : index
      %swap3A_247 = tpu.vector_load %arg22[%swap3A_246] {strides = array<i32>} : memref<128xf32, #tpu.memory_space<vmem>>, vector<16xf32>,
      %swap3A_248 = vector.shape_cast %swap3A_247 : vector<16xf32> to vector<16xf32>
      %swap3A_249 = vector.shape_cast %mul3A_243 : vector<16xf32> to vector<16xf32>
      tpu.vector_store %arg22[%swap3A_246], %swap3A_249 {strides = array<i32>} : memref<128xf32, #tpu.memory_space<vmem>>, vector<16xf32>,
      %swap3A_250 = arith.constant 16 : index
      %swap3A_251 = tpu.vector_load %arg23[%swap3A_250] {strides = array<i32>} : memref<128xf32, #tpu.memory_space<vmem>>, vector<16xf32>,
      %swap3A_252 = vector.shape_cast %swap3A_251 : vector<16xf32> to vector<16xf32>
      %swap3A_253 = vector.shape_cast %mul3A_244 : vector<16xf32> to vector<16xf32>
      tpu.vector_store %arg23[%swap3A_250], %swap3A_253 {strides = array<i32>} : memref<128xf32, #tpu.memory_space<vmem>>, vector<16xf32>,
      %swap3A_254 = arith.constant 16 : index
      %swap3A_255 = tpu.vector_load %arg24[%swap3A_254] {strides = array<i32>} : memref<128xf32, #tpu.memory_space<vmem>>, vector<16xf32>,
      %swap3A_256 = vector.shape_cast %swap3A_255 : vector<16xf32> to vector<16xf32>
      %swap3A_257 = vector.shape_cast %mul3A_245 : vector<16xf32> to vector<16xf32>
      tpu.vector_store %arg24[%swap3A_254], %swap3A_257 {strides = array<i32>} : memref<128xf32, #tpu.memory_space<vmem>>, vector<16xf32>,
      %neg3A_258 = arith.constant 0.000000e+00 : f32
      %neg3A_259 = vector.broadcast %neg3A_258 : f32 to vector<16xf32>
      %neg3A_260 = arith.subf %neg3A_259, %mul3A_243 : vector<16xf32>
      %swap3A_261 = arith.constant 16 : index
      %swap3A_262 = tpu.vector_load %arg25[%swap3A_261] {strides = array<i32>} : memref<128xf32, #tpu.memory_space<vmem>>, vector<16xf32>,
      %swap3A_263 = vector.shape_cast %swap3A_262 : vector<16xf32> to vector<16xf32>
      %swap3A_264 = vector.shape_cast %neg3A_260 : vector<16xf32> to vector<16xf32>
      tpu.vector_store %arg25[%swap3A_261], %swap3A_264 {strides = array<i32>} : memref<128xf32, #tpu.memory_space<vmem>>, vector<16xf32>,
      %neg3A_265 = arith.constant 0.000000e+00 : f32
      %neg3A_266 = vector.broadcast %neg3A_265 : f32 to vector<16xf32>
      %neg3A_267 = arith.subf %neg3A_266, %mul3A_244 : vector<16xf32>
      %swap3A_268 = arith.constant 16 : index
      %swap3A_269 = tpu.vector_load %arg26[%swap3A_268] {strides = array<i32>} : memref<128xf32, #tpu.memory_space<vmem>>, vector<16xf32>,
      %swap3A_270 = vector.shape_cast %swap3A_269 : vector<16xf32> to vector<16xf32>
      %swap3A_271 = vector.shape_cast %neg3A_267 : vector<16xf32> to vector<16xf32>
      tpu.vector_store %arg26[%swap3A_268], %swap3A_271 {strides = array<i32>} : memref<128xf32, #tpu.memory_space<vmem>>, vector<16xf32>,
      %neg3A_272 = arith.constant 0.000000e+00 : f32
      %neg3A_273 = vector.broadcast %neg3A_272 : f32 to vector<16xf32>
      %neg3A_274 = arith.subf %neg3A_273, %mul3A_245 : vector<16xf32>
      %swap3A_275 = arith.constant 16 : index
      %swap3A_276 = tpu.vector_load %arg27[%swap3A_275] {strides = array<i32>} : memref<128xf32, #tpu.memory_space<vmem>>, vector<16xf32>,
      %swap3A_277 = vector.shape_cast %swap3A_276 : vector<16xf32> to vector<16xf32>
      %swap3A_278 = vector.shape_cast %neg3A_274 : vector<16xf32> to vector<16xf32>
      tpu.vector_store %arg27[%swap3A_275], %swap3A_278 {strides = array<i32>} : memref<128xf32, #tpu.memory_space<vmem>>, vector<16xf32>,
      %get3A_279 = arith.constant 32 : index
      %get3A_280 = tpu.vector_load %arg16[%get3A_279] {strides = array<i32>} : memref<128xf32, #tpu.memory_space<vmem>>, vector<16xf32>,
      %get3A_281 = vector.shape_cast %get3A_280 : vector<16xf32> to vector<16xf32>
      %get3A_282 = arith.constant 32 : index
      %get3A_283 = tpu.vector_load %arg19[%get3A_282] {strides = array<i32>} : memref<128xf32, #tpu.memory_space<vmem>>, vector<16xf32>,
      %get3A_284 = vector.shape_cast %get3A_283 : vector<16xf32> to vector<16xf32>
      %sub3A_285 = arith.subf %get3A_281, %get3A_284 : vector<16xf32>
      %get3A_286 = arith.constant 32 : index
      %get3A_287 = tpu.vector_load %arg17[%get3A_286] {strides = array<i32>} : memref<128xf32, #tpu.memory_space<vmem>>, vector<16xf32>,
      %get3A_288 = vector.shape_cast %get3A_287 : vector<16xf32> to vector<16xf32>
      %get3A_289 = arith.constant 32 : index
      %get3A_290 = tpu.vector_load %arg20[%get3A_289] {strides = array<i32>} : memref<128xf32, #tpu.memory_space<vmem>>, vector<16xf32>,
      %get3A_291 = vector.shape_cast %get3A_290 : vector<16xf32> to vector<16xf32>
      %sub3A_292 = arith.subf %get3A_288, %get3A_291 : vector<16xf32>
      %get3A_293 = arith.constant 32 : index
      %get3A_294 = tpu.vector_load %arg18[%get3A_293] {strides = array<i32>} : memref<128xf32, #tpu.memory_space<vmem>>, vector<16xf32>,
      %get3A_295 = vector.shape_cast %get3A_294 : vector<16xf32> to vector<16xf32>
      %get3A_296 = arith.constant 32 : index
      %get3A_297 = tpu.vector_load %arg21[%get3A_296] {strides = array<i32>} : memref<128xf32, #tpu.memory_space<vmem>>, vector<16xf32>,
      %get3A_298 = vector.shape_cast %get3A_297 : vector<16xf32> to vector<16xf32>
      %sub3A_299 = arith.subf %get3A_295, %get3A_298 : vector<16xf32>
      %mul3A_300 = arith.mulf %sub3A_285, %sub3A_285 : vector<16xf32>
      %mul3A_301 = arith.mulf %sub3A_292, %sub3A_292 : vector<16xf32>
      %add3A_302 = arith.addf %mul3A_300, %mul3A_301 : vector<16xf32>
      %mul3A_303 = arith.mulf %sub3A_299, %sub3A_299 : vector<16xf32>
      %add3A_304 = arith.addf %add3A_302, %mul3A_303 : vector<16xf32>
      %bitcast_convert_type3A_305 = tpu.bitcast %add3A_304 : vector<16xf32> -> vector<16xi32>
      %shift_right_logical3A_306 = arith.constant 1 : i32
      %shift_right_logical3A_307 = vector.broadcast %shift_right_logical3A_306 : i32 to vector<16xi32>
      %shift_right_logical3A_308 = arith.shrui %bitcast_convert_type3A_305, %shift_right_logical3A_307 : vector<16xi32>
      %sub3A_309 = arith.constant 1597463007 : i32
      %sub3A_310 = vector.broadcast %sub3A_309 : i32 to vector<16xi32>
      %sub3A_311 = arith.subi %sub3A_310, %shift_right_logical3A_308 : vector<16xi32>
      %bitcast_convert_type3A_312 = tpu.bitcast %sub3A_311 : vector<16xi32> -> vector<16xf32>
      %mul3A_313 = arith.constant 5.000000e-01 : f32
      %mul3A_314 = vector.broadcast %mul3A_313 : f32 to vector<16xf32>
      %mul3A_315 = arith.mulf %mul3A_314, %add3A_304 : vector<16xf32>
      %mul3A_316 = arith.mulf %mul3A_315, %bitcast_convert_type3A_312 : vector<16xf32>
      %mul3A_317 = arith.mulf %mul3A_316, %bitcast_convert_type3A_312 : vector<16xf32>
      %sub3A_318 = arith.constant 1.500000e+00 : f32
      %sub3A_319 = vector.broadcast %sub3A_318 : f32 to vector<16xf32>
      %sub3A_320 = arith.subf %sub3A_319, %mul3A_317 : vector<16xf32>
      %mul3A_321 = arith.mulf %bitcast_convert_type3A_312, %sub3A_320 : vector<16xf32>
      %mul3A_322 = arith.mulf %mul3A_315, %mul3A_321 : vector<16xf32>
      %mul3A_323 = arith.mulf %mul3A_322, %mul3A_321 : vector<16xf32>
      %sub3A_324 = arith.constant 1.500000e+00 : f32
      %sub3A_325 = vector.broadcast %sub3A_324 : f32 to vector<16xf32>
      %sub3A_326 = arith.subf %sub3A_325, %mul3A_323 : vector<16xf32>
      %mul3A_327 = arith.mulf %mul3A_321, %sub3A_326 : vector<16xf32>
      %mul3A_328 = arith.mulf %mul3A_315, %mul3A_327 : vector<16xf32>
      %mul3A_329 = arith.mulf %mul3A_328, %mul3A_327 : vector<16xf32>
      %sub3A_330 = arith.constant 1.500000e+00 : f32
      %sub3A_331 = vector.broadcast %sub3A_330 : f32 to vector<16xf32>
      %sub3A_332 = arith.subf %sub3A_331, %mul3A_329 : vector<16xf32>
      %mul3A_333 = arith.mulf %mul3A_327, %sub3A_332 : vector<16xf32>
      %mul3A_334 = arith.mulf %add3A_304, %mul3A_333 : vector<16xf32>
      %mul3A_335 = arith.constant 128 : i32
      %mul3A_336 = arith.muli %scan3A_26, %mul3A_335 : i32
      %add3A_337 = arith.constant 32 : i32
      %add3A_338 = arith.addi %mul3A_336, %add3A_337 : i32
      %get3A_339 = arith.index_cast %add3A_338 : i32 to index
      %get3A_340 = tpu.vector_load %arg15[%get3A_339] {strides = array<i32>} : memref<10240xf32, #tpu.memory_space<vmem>>, vector<16xf32>,
      %get3A_341 = vector.shape_cast %get3A_340 : vector<16xf32> to vector<16xf32>
      %sub3A_342 = arith.subf %mul3A_334, %get3A_341 : vector<16xf32>
      %mul3A_343 = arith.constant 128 : i32
      %mul3A_344 = arith.muli %scan3A_26, %mul3A_343 : i32
      %add3A_345 = arith.addi %mul3A_10, %mul3A_344 : i32
      %add3A_346 = arith.constant 32 : i32
      %add3A_347 = arith.addi %add3A_345, %add3A_346 : i32
      %add3A_348 = vector.broadcast %add3A_347 : i32 to vector<16xi32>
      %add3A_349 = arith.addi %add3A_348, %iota3A : vector<16xi32>
      %lt3A_350 = arith.constant 319600 : i32
      %lt3A_351 = vector.broadcast %lt3A_350 : i32 to vector<16xi32>
      %lt3A_352 = arith.cmpi slt, %add3A_349, %lt3A_351 : vector<16xi32>
      %mul3A_353 = vector.broadcast %scan3A_11 : f32 to vector<16xf32>
      %mul3A_354 = arith.mulf %mul3A_353, %sub3A_342 : vector<16xf32>
      %mul3A_355 = arith.mulf %mul3A_354, %sub3A_342 : vector<16xf32>
      %jit3A_356 = arith.constant 0.000000e+00 : f32
      %broadcast_in_dim3A_357 = vector.broadcast %jit3A_356 : f32 to vector<16xf32>
      %select_n3A_358 = arith.select %lt3A_352, %mul3A_355, %broadcast_in_dim3A_357 : vector<16xi1>, vector<16xf32>
      %get3A_359 = arith.constant 0 : index
      %get3A_360 = tpu.vector_load %arg28[%get3A_359] {strides = array<i32>} : memref<16xf32, #tpu.memory_space<vmem>>, vector<16xf32>,
      %get3A_361 = vector.shape_cast %get3A_360 : vector<16xf32> to vector<16xf32>
      %add3A_362 = arith.addf %get3A_361, %select_n3A_358 : vector<16xf32>
      %swap3A_363 = arith.constant 0 : index
      %swap3A_364 = tpu.vector_load %arg28[%swap3A_363] {strides = array<i32>} : memref<16xf32, #tpu.memory_space<vmem>>, vector<16xf32>,
      %swap3A_365 = vector.shape_cast %swap3A_364 : vector<16xf32> to vector<16xf32>
      %swap3A_366 = vector.shape_cast %add3A_362 : vector<16xf32> to vector<16xf32>
      tpu.vector_store %arg28[%swap3A_363], %swap3A_366 {strides = array<i32>} : memref<16xf32, #tpu.memory_space<vmem>>, vector<16xf32>,
      %mul3A_367 = vector.broadcast %scan3A_12 : f32 to vector<16xf32>
      %mul3A_368 = arith.mulf %mul3A_367, %sub3A_342 : vector<16xf32>
      %mul3A_369 = arith.mulf %mul3A_368, %mul3A_333 : vector<16xf32>
      %jit3A_370 = arith.constant 0.000000e+00 : f32
      %broadcast_in_dim3A_371 = vector.broadcast %jit3A_370 : f32 to vector<16xf32>
      %select_n3A_372 = arith.select %lt3A_352, %mul3A_369, %broadcast_in_dim3A_371 : vector<16xi1>, vector<16xf32>
      %mul3A_373 = arith.mulf %select_n3A_372, %sub3A_285 : vector<16xf32>
      %mul3A_374 = arith.mulf %select_n3A_372, %sub3A_292 : vector<16xf32>
      %mul3A_375 = arith.mulf %select_n3A_372, %sub3A_299 : vector<16xf32>
      %swap3A_376 = arith.constant 32 : index
      %swap3A_377 = tpu.vector_load %arg22[%swap3A_376] {strides = array<i32>} : memref<128xf32, #tpu.memory_space<vmem>>, vector<16xf32>,
      %swap3A_378 = vector.shape_cast %swap3A_377 : vector<16xf32> to vector<16xf32>
      %swap3A_379 = vector.shape_cast %mul3A_373 : vector<16xf32> to vector<16xf32>
      tpu.vector_store %arg22[%swap3A_376], %swap3A_379 {strides = array<i32>} : memref<128xf32, #tpu.memory_space<vmem>>, vector<16xf32>,
      %swap3A_380 = arith.constant 32 : index
      %swap3A_381 = tpu.vector_load %arg23[%swap3A_380] {strides = array<i32>} : memref<128xf32, #tpu.memory_space<vmem>>, vector<16xf32>,
      %swap3A_382 = vector.shape_cast %swap3A_381 : vector<16xf32> to vector<16xf32>
      %swap3A_383 = vector.shape_cast %mul3A_374 : vector<16xf32> to vector<16xf32>
      tpu.vector_store %arg23[%swap3A_380], %swap3A_383 {strides = array<i32>} : memref<128xf32, #tpu.memory_space<vmem>>, vector<16xf32>,
      %swap3A_384 = arith.constant 32 : index
      %swap3A_385 = tpu.vector_load %arg24[%swap3A_384] {strides = array<i32>} : memref<128xf32, #tpu.memory_space<vmem>>, vector<16xf32>,
      %swap3A_386 = vector.shape_cast %swap3A_385 : vector<16xf32> to vector<16xf32>
      %swap3A_387 = vector.shape_cast %mul3A_375 : vector<16xf32> to vector<16xf32>
      tpu.vector_store %arg24[%swap3A_384], %swap3A_387 {strides = array<i32>} : memref<128xf32, #tpu.memory_space<vmem>>, vector<16xf32>,
      %neg3A_388 = arith.constant 0.000000e+00 : f32
      %neg3A_389 = vector.broadcast %neg3A_388 : f32 to vector<16xf32>
      %neg3A_390 = arith.subf %neg3A_389, %mul3A_373 : vector<16xf32>
      %swap3A_391 = arith.constant 32 : index
      %swap3A_392 = tpu.vector_load %arg25[%swap3A_391] {strides = array<i32>} : memref<128xf32, #tpu.memory_space<vmem>>, vector<16xf32>,
      %swap3A_393 = vector.shape_cast %swap3A_392 : vector<16xf32> to vector<16xf32>
      %swap3A_394 = vector.shape_cast %neg3A_390 : vector<16xf32> to vector<16xf32>
      tpu.vector_store %arg25[%swap3A_391], %swap3A_394 {strides = array<i32>} : memref<128xf32, #tpu.memory_space<vmem>>, vector<16xf32>,
      %neg3A_395 = arith.constant 0.000000e+00 : f32
      %neg3A_396 = vector.broadcast %neg3A_395 : f32 to vector<16xf32>
      %neg3A_397 = arith.subf %neg3A_396, %mul3A_374 : vector<16xf32>
      %swap3A_398 = arith.constant 32 : index
      %swap3A_399 = tpu.vector_load %arg26[%swap3A_398] {strides = array<i32>} : memref<128xf32, #tpu.memory_space<vmem>>, vector<16xf32>,
      %swap3A_400 = vector.shape_cast %swap3A_399 : vector<16xf32> to vector<16xf32>
      %swap3A_401 = vector.shape_cast %neg3A_397 : vector<16xf32> to vector<16xf32>
      tpu.vector_store %arg26[%swap3A_398], %swap3A_401 {strides = array<i32>} : memref<128xf32, #tpu.memory_space<vmem>>, vector<16xf32>,
      %neg3A_402 = arith.constant 0.000000e+00 : f32
      %neg3A_403 = vector.broadcast %neg3A_402 : f32 to vector<16xf32>
      %neg3A_404 = arith.subf %neg3A_403, %mul3A_375 : vector<16xf32>
      %swap3A_405 = arith.constant 32 : index
      %swap3A_406 = tpu.vector_load %arg27[%swap3A_405] {strides = array<i32>} : memref<128xf32, #tpu.memory_space<vmem>>, vector<16xf32>,
      %swap3A_407 = vector.shape_cast %swap3A_406 : vector<16xf32> to vector<16xf32>
      %swap3A_408 = vector.shape_cast %neg3A_404 : vector<16xf32> to vector<16xf32>
      tpu.vector_store %arg27[%swap3A_405], %swap3A_408 {strides = array<i32>} : memref<128xf32, #tpu.memory_space<vmem>>, vector<16xf32>,
      %get3A_409 = arith.constant 48 : index
      %get3A_410 = tpu.vector_load %arg16[%get3A_409] {strides = array<i32>} : memref<128xf32, #tpu.memory_space<vmem>>, vector<16xf32>,
      %get3A_411 = vector.shape_cast %get3A_410 : vector<16xf32> to vector<16xf32>
      %get3A_412 = arith.constant 48 : index
      %get3A_413 = tpu.vector_load %arg19[%get3A_412] {strides = array<i32>} : memref<128xf32, #tpu.memory_space<vmem>>, vector<16xf32>,
      %get3A_414 = vector.shape_cast %get3A_413 : vector<16xf32> to vector<16xf32>
      %sub3A_415 = arith.subf %get3A_411, %get3A_414 : vector<16xf32>
      %get3A_416 = arith.constant 48 : index
      %get3A_417 = tpu.vector_load %arg17[%get3A_416] {strides = array<i32>} : memref<128xf32, #tpu.memory_space<vmem>>, vector<16xf32>,
      %get3A_418 = vector.shape_cast %get3A_417 : vector<16xf32> to vector<16xf32>
      %get3A_419 = arith.constant 48 : index
      %get3A_420 = tpu.vector_load %arg20[%get3A_419] {strides = array<i32>} : memref<128xf32, #tpu.memory_space<vmem>>, vector<16xf32>,
      %get3A_421 = vector.shape_cast %get3A_420 : vector<16xf32> to vector<16xf32>
      %sub3A_422 = arith.subf %get3A_418, %get3A_421 : vector<16xf32>
      %get3A_423 = arith.constant 48 : index
      %get3A_424 = tpu.vector_load %arg18[%get3A_423] {strides = array<i32>} : memref<128xf32, #tpu.memory_space<vmem>>, vector<16xf32>,
      %get3A_425 = vector.shape_cast %get3A_424 : vector<16xf32> to vector<16xf32>
      %get3A_426 = arith.constant 48 : index
      %get3A_427 = tpu.vector_load %arg21[%get3A_426] {strides = array<i32>} : memref<128xf32, #tpu.memory_space<vmem>>, vector<16xf32>,
      %get3A_428 = vector.shape_cast %get3A_427 : vector<16xf32> to vector<16xf32>
      %sub3A_429 = arith.subf %get3A_425, %get3A_428 : vector<16xf32>
      %mul3A_430 = arith.mulf %sub3A_415, %sub3A_415 : vector<16xf32>
      %mul3A_431 = arith.mulf %sub3A_422, %sub3A_422 : vector<16xf32>
      %add3A_432 = arith.addf %mul3A_430, %mul3A_431 : vector<16xf32>
      %mul3A_433 = arith.mulf %sub3A_429, %sub3A_429 : vector<16xf32>
      %add3A_434 = arith.addf %add3A_432, %mul3A_433 : vector<16xf32>
      %bitcast_convert_type3A_435 = tpu.bitcast %add3A_434 : vector<16xf32> -> vector<16xi32>
      %shift_right_logical3A_436 = arith.constant 1 : i32
      %shift_right_logical3A_437 = vector.broadcast %shift_right_logical3A_436 : i32 to vector<16xi32>
      %shift_right_logical3A_438 = arith.shrui %bitcast_convert_type3A_435, %shift_right_logical3A_437 : vector<16xi32>
      %sub3A_439 = arith.constant 1597463007 : i32
      %sub3A_440 = vector.broadcast %sub3A_439 : i32 to vector<16xi32>
      %sub3A_441 = arith.subi %sub3A_440, %shift_right_logical3A_438 : vector<16xi32>
      %bitcast_convert_type3A_442 = tpu.bitcast %sub3A_441 : vector<16xi32> -> vector<16xf32>
      %mul3A_443 = arith.constant 5.000000e-01 : f32
      %mul3A_444 = vector.broadcast %mul3A_443 : f32 to vector<16xf32>
      %mul3A_445 = arith.mulf %mul3A_444, %add3A_434 : vector<16xf32>
      %mul3A_446 = arith.mulf %mul3A_445, %bitcast_convert_type3A_442 : vector<16xf32>
      %mul3A_447 = arith.mulf %mul3A_446, %bitcast_convert_type3A_442 : vector<16xf32>
      %sub3A_448 = arith.constant 1.500000e+00 : f32
      %sub3A_449 = vector.broadcast %sub3A_448 : f32 to vector<16xf32>
      %sub3A_450 = arith.subf %sub3A_449, %mul3A_447 : vector<16xf32>
      %mul3A_451 = arith.mulf %bitcast_convert_type3A_442, %sub3A_450 : vector<16xf32>
      %mul3A_452 = arith.mulf %mul3A_445, %mul3A_451 : vector<16xf32>
      %mul3A_453 = arith.mulf %mul3A_452, %mul3A_451 : vector<16xf32>
      %sub3A_454 = arith.constant 1.500000e+00 : f32
      %sub3A_455 = vector.broadcast %sub3A_454 : f32 to vector<16xf32>
      %sub3A_456 = arith.subf %sub3A_455, %mul3A_453 : vector<16xf32>
      %mul3A_457 = arith.mulf %mul3A_451, %sub3A_456 : vector<16xf32>
      %mul3A_458 = arith.mulf %mul3A_445, %mul3A_457 : vector<16xf32>
      %mul3A_459 = arith.mulf %mul3A_458, %mul3A_457 : vector<16xf32>
      %sub3A_460 = arith.constant 1.500000e+00 : f32
      %sub3A_461 = vector.broadcast %sub3A_460 : f32 to vector<16xf32>
      %sub3A_462 = arith.subf %sub3A_461, %mul3A_459 : vector<16xf32>
      %mul3A_463 = arith.mulf %mul3A_457, %sub3A_462 : vector<16xf32>
      %mul3A_464 = arith.mulf %add3A_434, %mul3A_463 : vector<16xf32>
      %mul3A_465 = arith.constant 128 : i32
      %mul3A_466 = arith.muli %scan3A_26, %mul3A_465 : i32
      %add3A_467 = arith.constant 48 : i32
      %add3A_468 = arith.addi %mul3A_466, %add3A_467 : i32
      %get3A_469 = arith.index_cast %add3A_468 : i32 to index
      %get3A_470 = tpu.vector_load %arg15[%get3A_469] {strides = array<i32>} : memref<10240xf32, #tpu.memory_space<vmem>>, vector<16xf32>,
      %get3A_471 = vector.shape_cast %get3A_470 : vector<16xf32> to vector<16xf32>
      %sub3A_472 = arith.subf %mul3A_464, %get3A_471 : vector<16xf32>
      %mul3A_473 = arith.constant 128 : i32
      %mul3A_474 = arith.muli %scan3A_26, %mul3A_473 : i32
      %add3A_475 = arith.addi %mul3A_10, %mul3A_474 : i32
      %add3A_476 = arith.constant 48 : i32
      %add3A_477 = arith.addi %add3A_475, %add3A_476 : i32
      %add3A_478 = vector.broadcast %add3A_477 : i32 to vector<16xi32>
      %add3A_479 = arith.addi %add3A_478, %iota3A : vector<16xi32>
      %lt3A_480 = arith.constant 319600 : i32
      %lt3A_481 = vector.broadcast %lt3A_480 : i32 to vector<16xi32>
      %lt3A_482 = arith.cmpi slt, %add3A_479, %lt3A_481 : vector<16xi32>
      %mul3A_483 = vector.broadcast %scan3A_11 : f32 to vector<16xf32>
      %mul3A_484 = arith.mulf %mul3A_483, %sub3A_472 : vector<16xf32>
      %mul3A_485 = arith.mulf %mul3A_484, %sub3A_472 : vector<16xf32>
      %jit3A_486 = arith.constant 0.000000e+00 : f32
      %broadcast_in_dim3A_487 = vector.broadcast %jit3A_486 : f32 to vector<16xf32>
      %select_n3A_488 = arith.select %lt3A_482, %mul3A_485, %broadcast_in_dim3A_487 : vector<16xi1>, vector<16xf32>
      %get3A_489 = arith.constant 0 : index
      %get3A_490 = tpu.vector_load %arg28[%get3A_489] {strides = array<i32>} : memref<16xf32, #tpu.memory_space<vmem>>, vector<16xf32>,
      %get3A_491 = vector.shape_cast %get3A_490 : vector<16xf32> to vector<16xf32>
      %add3A_492 = arith.addf %get3A_491, %select_n3A_488 : vector<16xf32>
      %swap3A_493 = arith.constant 0 : index
      %swap3A_494 = tpu.vector_load %arg28[%swap3A_493] {strides = array<i32>} : memref<16xf32, #tpu.memory_space<vmem>>, vector<16xf32>,
      %swap3A_495 = vector.shape_cast %swap3A_494 : vector<16xf32> to vector<16xf32>
      %swap3A_496 = vector.shape_cast %add3A_492 : vector<16xf32> to vector<16xf32>
      tpu.vector_store %arg28[%swap3A_493], %swap3A_496 {strides = array<i32>} : memref<16xf32, #tpu.memory_space<vmem>>, vector<16xf32>,
      %mul3A_497 = vector.broadcast %scan3A_12 : f32 to vector<16xf32>
      %mul3A_498 = arith.mulf %mul3A_497, %sub3A_472 : vector<16xf32>
      %mul3A_499 = arith.mulf %mul3A_498, %mul3A_463 : vector<16xf32>
      %jit3A_500 = arith.constant 0.000000e+00 : f32
      %broadcast_in_dim3A_501 = vector.broadcast %jit3A_500 : f32 to vector<16xf32>
      %select_n3A_502 = arith.select %lt3A_482, %mul3A_499, %broadcast_in_dim3A_501 : vector<16xi1>, vector<16xf32>
      %mul3A_503 = arith.mulf %select_n3A_502, %sub3A_415 : vector<16xf32>
      %mul3A_504 = arith.mulf %select_n3A_502, %sub3A_422 : vector<16xf32>
      %mul3A_505 = arith.mulf %select_n3A_502, %sub3A_429 : vector<16xf32>
      %swap3A_506 = arith.constant 48 : index
      %swap3A_507 = tpu.vector_load %arg22[%swap3A_506] {strides = array<i32>} : memref<128xf32, #tpu.memory_space<vmem>>, vector<16xf32>,
      %swap3A_508 = vector.shape_cast %swap3A_507 : vector<16xf32> to vector<16xf32>
      %swap3A_509 = vector.shape_cast %mul3A_503 : vector<16xf32> to vector<16xf32>
      tpu.vector_store %arg22[%swap3A_506], %swap3A_509 {strides = array<i32>} : memref<128xf32, #tpu.memory_space<vmem>>, vector<16xf32>,
      %swap3A_510 = arith.constant 48 : index
      %swap3A_511 = tpu.vector_load %arg23[%swap3A_510] {strides = array<i32>} : memref<128xf32, #tpu.memory_space<vmem>>, vector<16xf32>,
      %swap3A_512 = vector.shape_cast %swap3A_511 : vector<16xf32> to vector<16xf32>
      %swap3A_513 = vector.shape_cast %mul3A_504 : vector<16xf32> to vector<16xf32>
      tpu.vector_store %arg23[%swap3A_510], %swap3A_513 {strides = array<i32>} : memref<128xf32, #tpu.memory_space<vmem>>, vector<16xf32>,
      %swap3A_514 = arith.constant 48 : index
      %swap3A_515 = tpu.vector_load %arg24[%swap3A_514] {strides = array<i32>} : memref<128xf32, #tpu.memory_space<vmem>>, vector<16xf32>,
      %swap3A_516 = vector.shape_cast %swap3A_515 : vector<16xf32> to vector<16xf32>
      %swap3A_517 = vector.shape_cast %mul3A_505 : vector<16xf32> to vector<16xf32>
      tpu.vector_store %arg24[%swap3A_514], %swap3A_517 {strides = array<i32>} : memref<128xf32, #tpu.memory_space<vmem>>, vector<16xf32>,
      %neg3A_518 = arith.constant 0.000000e+00 : f32
      %neg3A_519 = vector.broadcast %neg3A_518 : f32 to vector<16xf32>
      %neg3A_520 = arith.subf %neg3A_519, %mul3A_503 : vector<16xf32>
      %swap3A_521 = arith.constant 48 : index
      %swap3A_522 = tpu.vector_load %arg25[%swap3A_521] {strides = array<i32>} : memref<128xf32, #tpu.memory_space<vmem>>, vector<16xf32>,
      %swap3A_523 = vector.shape_cast %swap3A_522 : vector<16xf32> to vector<16xf32>
      %swap3A_524 = vector.shape_cast %neg3A_520 : vector<16xf32> to vector<16xf32>
      tpu.vector_store %arg25[%swap3A_521], %swap3A_524 {strides = array<i32>} : memref<128xf32, #tpu.memory_space<vmem>>, vector<16xf32>,
      %neg3A_525 = arith.constant 0.000000e+00 : f32
      %neg3A_526 = vector.broadcast %neg3A_525 : f32 to vector<16xf32>
      %neg3A_527 = arith.subf %neg3A_526, %mul3A_504 : vector<16xf32>
      %swap3A_528 = arith.constant 48 : index
      %swap3A_529 = tpu.vector_load %arg26[%swap3A_528] {strides = array<i32>} : memref<128xf32, #tpu.memory_space<vmem>>, vector<16xf32>,
      %swap3A_530 = vector.shape_cast %swap3A_529 : vector<16xf32> to vector<16xf32>
      %swap3A_531 = vector.shape_cast %neg3A_527 : vector<16xf32> to vector<16xf32>
      tpu.vector_store %arg26[%swap3A_528], %swap3A_531 {strides = array<i32>} : memref<128xf32, #tpu.memory_space<vmem>>, vector<16xf32>,
      %neg3A_532 = arith.constant 0.000000e+00 : f32
      %neg3A_533 = vector.broadcast %neg3A_532 : f32 to vector<16xf32>
      %neg3A_534 = arith.subf %neg3A_533, %mul3A_505 : vector<16xf32>
      %swap3A_535 = arith.constant 48 : index
      %swap3A_536 = tpu.vector_load %arg27[%swap3A_535] {strides = array<i32>} : memref<128xf32, #tpu.memory_space<vmem>>, vector<16xf32>,
      %swap3A_537 = vector.shape_cast %swap3A_536 : vector<16xf32> to vector<16xf32>
      %swap3A_538 = vector.shape_cast %neg3A_534 : vector<16xf32> to vector<16xf32>
      tpu.vector_store %arg27[%swap3A_535], %swap3A_538 {strides = array<i32>} : memref<128xf32, #tpu.memory_space<vmem>>, vector<16xf32>,
      %get3A_539 = arith.constant 64 : index
      %get3A_540 = tpu.vector_load %arg16[%get3A_539] {strides = array<i32>} : memref<128xf32, #tpu.memory_space<vmem>>, vector<16xf32>,
      %get3A_541 = vector.shape_cast %get3A_540 : vector<16xf32> to vector<16xf32>
      %get3A_542 = arith.constant 64 : index
      %get3A_543 = tpu.vector_load %arg19[%get3A_542] {strides = array<i32>} : memref<128xf32, #tpu.memory_space<vmem>>, vector<16xf32>,
      %get3A_544 = vector.shape_cast %get3A_543 : vector<16xf32> to vector<16xf32>
      %sub3A_545 = arith.subf %get3A_541, %get3A_544 : vector<16xf32>
      %get3A_546 = arith.constant 64 : index
      %get3A_547 = tpu.vector_load %arg17[%get3A_546] {strides = array<i32>} : memref<128xf32, #tpu.memory_space<vmem>>, vector<16xf32>,
      %get3A_548 = vector.shape_cast %get3A_547 : vector<16xf32> to vector<16xf32>
      %get3A_549 = arith.constant 64 : index
      %get3A_550 = tpu.vector_load %arg20[%get3A_549] {strides = array<i32>} : memref<128xf32, #tpu.memory_space<vmem>>, vector<16xf32>,
      %get3A_551 = vector.shape_cast %get3A_550 : vector<16xf32> to vector<16xf32>
      %sub3A_552 = arith.subf %get3A_548, %get3A_551 : vector<16xf32>
      %get3A_553 = arith.constant 64 : index
      %get3A_554 = tpu.vector_load %arg18[%get3A_553] {strides = array<i32>} : memref<128xf32, #tpu.memory_space<vmem>>, vector<16xf32>,
      %get3A_555 = vector.shape_cast %get3A_554 : vector<16xf32> to vector<16xf32>
      %get3A_556 = arith.constant 64 : index
      %get3A_557 = tpu.vector_load %arg21[%get3A_556] {strides = array<i32>} : memref<128xf32, #tpu.memory_space<vmem>>, vector<16xf32>,
      %get3A_558 = vector.shape_cast %get3A_557 : vector<16xf32> to vector<16xf32>
      %sub3A_559 = arith.subf %get3A_555, %get3A_558 : vector<16xf32>
      %mul3A_560 = arith.mulf %sub3A_545, %sub3A_545 : vector<16xf32>
      %mul3A_561 = arith.mulf %sub3A_552, %sub3A_552 : vector<16xf32>
      %add3A_562 = arith.addf %mul3A_560, %mul3A_561 : vector<16xf32>
      %mul3A_563 = arith.mulf %sub3A_559, %sub3A_559 : vector<16xf32>
      %add3A_564 = arith.addf %add3A_562, %mul3A_563 : vector<16xf32>
      %bitcast_convert_type3A_565 = tpu.bitcast %add3A_564 : vector<16xf32> -> vector<16xi32>
      %shift_right_logical3A_566 = arith.constant 1 : i32
      %shift_right_logical3A_567 = vector.broadcast %shift_right_logical3A_566 : i32 to vector<16xi32>
      %shift_right_logical3A_568 = arith.shrui %bitcast_convert_type3A_565, %shift_right_logical3A_567 : vector<16xi32>
      %sub3A_569 = arith.constant 1597463007 : i32
      %sub3A_570 = vector.broadcast %sub3A_569 : i32 to vector<16xi32>
      %sub3A_571 = arith.subi %sub3A_570, %shift_right_logical3A_568 : vector<16xi32>
      %bitcast_convert_type3A_572 = tpu.bitcast %sub3A_571 : vector<16xi32> -> vector<16xf32>
      %mul3A_573 = arith.constant 5.000000e-01 : f32
      %mul3A_574 = vector.broadcast %mul3A_573 : f32 to vector<16xf32>
      %mul3A_575 = arith.mulf %mul3A_574, %add3A_564 : vector<16xf32>
      %mul3A_576 = arith.mulf %mul3A_575, %bitcast_convert_type3A_572 : vector<16xf32>
      %mul3A_577 = arith.mulf %mul3A_576, %bitcast_convert_type3A_572 : vector<16xf32>
      %sub3A_578 = arith.constant 1.500000e+00 : f32
      %sub3A_579 = vector.broadcast %sub3A_578 : f32 to vector<16xf32>
      %sub3A_580 = arith.subf %sub3A_579, %mul3A_577 : vector<16xf32>
      %mul3A_581 = arith.mulf %bitcast_convert_type3A_572, %sub3A_580 : vector<16xf32>
      %mul3A_582 = arith.mulf %mul3A_575, %mul3A_581 : vector<16xf32>
      %mul3A_583 = arith.mulf %mul3A_582, %mul3A_581 : vector<16xf32>
      %sub3A_584 = arith.constant 1.500000e+00 : f32
      %sub3A_585 = vector.broadcast %sub3A_584 : f32 to vector<16xf32>
      %sub3A_586 = arith.subf %sub3A_585, %mul3A_583 : vector<16xf32>
      %mul3A_587 = arith.mulf %mul3A_581, %sub3A_586 : vector<16xf32>
      %mul3A_588 = arith.mulf %mul3A_575, %mul3A_587 : vector<16xf32>
      %mul3A_589 = arith.mulf %mul3A_588, %mul3A_587 : vector<16xf32>
      %sub3A_590 = arith.constant 1.500000e+00 : f32
      %sub3A_591 = vector.broadcast %sub3A_590 : f32 to vector<16xf32>
      %sub3A_592 = arith.subf %sub3A_591, %mul3A_589 : vector<16xf32>
      %mul3A_593 = arith.mulf %mul3A_587, %sub3A_592 : vector<16xf32>
      %mul3A_594 = arith.mulf %add3A_564, %mul3A_593 : vector<16xf32>
      %mul3A_595 = arith.constant 128 : i32
      %mul3A_596 = arith.muli %scan3A_26, %mul3A_595 : i32
      %add3A_597 = arith.constant 64 : i32
      %add3A_598 = arith.addi %mul3A_596, %add3A_597 : i32
      %get3A_599 = arith.index_cast %add3A_598 : i32 to index
      %get3A_600 = tpu.vector_load %arg15[%get3A_599] {strides = array<i32>} : memref<10240xf32, #tpu.memory_space<vmem>>, vector<16xf32>,
      %get3A_601 = vector.shape_cast %get3A_600 : vector<16xf32> to vector<16xf32>
      %sub3A_602 = arith.subf %mul3A_594, %get3A_601 : vector<16xf32>
      %mul3A_603 = arith.constant 128 : i32
      %mul3A_604 = arith.muli %scan3A_26, %mul3A_603 : i32
      %add3A_605 = arith.addi %mul3A_10, %mul3A_604 : i32
      %add3A_606 = arith.constant 64 : i32
      %add3A_607 = arith.addi %add3A_605, %add3A_606 : i32
      %add3A_608 = vector.broadcast %add3A_607 : i32 to vector<16xi32>
      %add3A_609 = arith.addi %add3A_608, %iota3A : vector<16xi32>
      %lt3A_610 = arith.constant 319600 : i32
      %lt3A_611 = vector.broadcast %lt3A_610 : i32 to vector<16xi32>
      %lt3A_612 = arith.cmpi slt, %add3A_609, %lt3A_611 : vector<16xi32>
      %mul3A_613 = vector.broadcast %scan3A_11 : f32 to vector<16xf32>
      %mul3A_614 = arith.mulf %mul3A_613, %sub3A_602 : vector<16xf32>
      %mul3A_615 = arith.mulf %mul3A_614, %sub3A_602 : vector<16xf32>
      %jit3A_616 = arith.constant 0.000000e+00 : f32
      %broadcast_in_dim3A_617 = vector.broadcast %jit3A_616 : f32 to vector<16xf32>
      %select_n3A_618 = arith.select %lt3A_612, %mul3A_615, %broadcast_in_dim3A_617 : vector<16xi1>, vector<16xf32>
      %get3A_619 = arith.constant 0 : index
      %get3A_620 = tpu.vector_load %arg28[%get3A_619] {strides = array<i32>} : memref<16xf32, #tpu.memory_space<vmem>>, vector<16xf32>,
      %get3A_621 = vector.shape_cast %get3A_620 : vector<16xf32> to vector<16xf32>
      %add3A_622 = arith.addf %get3A_621, %select_n3A_618 : vector<16xf32>
      %swap3A_623 = arith.constant 0 : index
      %swap3A_624 = tpu.vector_load %arg28[%swap3A_623] {strides = array<i32>} : memref<16xf32, #tpu.memory_space<vmem>>, vector<16xf32>,
      %swap3A_625 = vector.shape_cast %swap3A_624 : vector<16xf32> to vector<16xf32>
      %swap3A_626 = vector.shape_cast %add3A_622 : vector<16xf32> to vector<16xf32>
      tpu.vector_store %arg28[%swap3A_623], %swap3A_626 {strides = array<i32>} : memref<16xf32, #tpu.memory_space<vmem>>, vector<16xf32>,
      %mul3A_627 = vector.broadcast %scan3A_12 : f32 to vector<16xf32>
      %mul3A_628 = arith.mulf %mul3A_627, %sub3A_602 : vector<16xf32>
      %mul3A_629 = arith.mulf %mul3A_628, %mul3A_593 : vector<16xf32>
      %jit3A_630 = arith.constant 0.000000e+00 : f32
      %broadcast_in_dim3A_631 = vector.broadcast %jit3A_630 : f32 to vector<16xf32>
      %select_n3A_632 = arith.select %lt3A_612, %mul3A_629, %broadcast_in_dim3A_631 : vector<16xi1>, vector<16xf32>
      %mul3A_633 = arith.mulf %select_n3A_632, %sub3A_545 : vector<16xf32>
      %mul3A_634 = arith.mulf %select_n3A_632, %sub3A_552 : vector<16xf32>
      %mul3A_635 = arith.mulf %select_n3A_632, %sub3A_559 : vector<16xf32>
      %swap3A_636 = arith.constant 64 : index
      %swap3A_637 = tpu.vector_load %arg22[%swap3A_636] {strides = array<i32>} : memref<128xf32, #tpu.memory_space<vmem>>, vector<16xf32>,
      %swap3A_638 = vector.shape_cast %swap3A_637 : vector<16xf32> to vector<16xf32>
      %swap3A_639 = vector.shape_cast %mul3A_633 : vector<16xf32> to vector<16xf32>
      tpu.vector_store %arg22[%swap3A_636], %swap3A_639 {strides = array<i32>} : memref<128xf32, #tpu.memory_space<vmem>>, vector<16xf32>,
      %swap3A_640 = arith.constant 64 : index
      %swap3A_641 = tpu.vector_load %arg23[%swap3A_640] {strides = array<i32>} : memref<128xf32, #tpu.memory_space<vmem>>, vector<16xf32>,
      %swap3A_642 = vector.shape_cast %swap3A_641 : vector<16xf32> to vector<16xf32>
      %swap3A_643 = vector.shape_cast %mul3A_634 : vector<16xf32> to vector<16xf32>
      tpu.vector_store %arg23[%swap3A_640], %swap3A_643 {strides = array<i32>} : memref<128xf32, #tpu.memory_space<vmem>>, vector<16xf32>,
      %swap3A_644 = arith.constant 64 : index
      %swap3A_645 = tpu.vector_load %arg24[%swap3A_644] {strides = array<i32>} : memref<128xf32, #tpu.memory_space<vmem>>, vector<16xf32>,
      %swap3A_646 = vector.shape_cast %swap3A_645 : vector<16xf32> to vector<16xf32>
      %swap3A_647 = vector.shape_cast %mul3A_635 : vector<16xf32> to vector<16xf32>
      tpu.vector_store %arg24[%swap3A_644], %swap3A_647 {strides = array<i32>} : memref<128xf32, #tpu.memory_space<vmem>>, vector<16xf32>,
      %neg3A_648 = arith.constant 0.000000e+00 : f32
      %neg3A_649 = vector.broadcast %neg3A_648 : f32 to vector<16xf32>
      %neg3A_650 = arith.subf %neg3A_649, %mul3A_633 : vector<16xf32>
      %swap3A_651 = arith.constant 64 : index
      %swap3A_652 = tpu.vector_load %arg25[%swap3A_651] {strides = array<i32>} : memref<128xf32, #tpu.memory_space<vmem>>, vector<16xf32>,
      %swap3A_653 = vector.shape_cast %swap3A_652 : vector<16xf32> to vector<16xf32>
      %swap3A_654 = vector.shape_cast %neg3A_650 : vector<16xf32> to vector<16xf32>
      tpu.vector_store %arg25[%swap3A_651], %swap3A_654 {strides = array<i32>} : memref<128xf32, #tpu.memory_space<vmem>>, vector<16xf32>,
      %neg3A_655 = arith.constant 0.000000e+00 : f32
      %neg3A_656 = vector.broadcast %neg3A_655 : f32 to vector<16xf32>
      %neg3A_657 = arith.subf %neg3A_656, %mul3A_634 : vector<16xf32>
      %swap3A_658 = arith.constant 64 : index
      %swap3A_659 = tpu.vector_load %arg26[%swap3A_658] {strides = array<i32>} : memref<128xf32, #tpu.memory_space<vmem>>, vector<16xf32>,
      %swap3A_660 = vector.shape_cast %swap3A_659 : vector<16xf32> to vector<16xf32>
      %swap3A_661 = vector.shape_cast %neg3A_657 : vector<16xf32> to vector<16xf32>
      tpu.vector_store %arg26[%swap3A_658], %swap3A_661 {strides = array<i32>} : memref<128xf32, #tpu.memory_space<vmem>>, vector<16xf32>,
      %neg3A_662 = arith.constant 0.000000e+00 : f32
      %neg3A_663 = vector.broadcast %neg3A_662 : f32 to vector<16xf32>
      %neg3A_664 = arith.subf %neg3A_663, %mul3A_635 : vector<16xf32>
      %swap3A_665 = arith.constant 64 : index
      %swap3A_666 = tpu.vector_load %arg27[%swap3A_665] {strides = array<i32>} : memref<128xf32, #tpu.memory_space<vmem>>, vector<16xf32>,
      %swap3A_667 = vector.shape_cast %swap3A_666 : vector<16xf32> to vector<16xf32>
      %swap3A_668 = vector.shape_cast %neg3A_664 : vector<16xf32> to vector<16xf32>
      tpu.vector_store %arg27[%swap3A_665], %swap3A_668 {strides = array<i32>} : memref<128xf32, #tpu.memory_space<vmem>>, vector<16xf32>,
      %get3A_669 = arith.constant 80 : index
      %get3A_670 = tpu.vector_load %arg16[%get3A_669] {strides = array<i32>} : memref<128xf32, #tpu.memory_space<vmem>>, vector<16xf32>,
      %get3A_671 = vector.shape_cast %get3A_670 : vector<16xf32> to vector<16xf32>
      %get3A_672 = arith.constant 80 : index
      %get3A_673 = tpu.vector_load %arg19[%get3A_672] {strides = array<i32>} : memref<128xf32, #tpu.memory_space<vmem>>, vector<16xf32>,
      %get3A_674 = vector.shape_cast %get3A_673 : vector<16xf32> to vector<16xf32>
      %sub3A_675 = arith.subf %get3A_671, %get3A_674 : vector<16xf32>
      %get3A_676 = arith.constant 80 : index
      %get3A_677 = tpu.vector_load %arg17[%get3A_676] {strides = array<i32>} : memref<128xf32, #tpu.memory_space<vmem>>, vector<16xf32>,
      %get3A_678 = vector.shape_cast %get3A_677 : vector<16xf32> to vector<16xf32>
      %get3A_679 = arith.constant 80 : index
      %get3A_680 = tpu.vector_load %arg20[%get3A_679] {strides = array<i32>} : memref<128xf32, #tpu.memory_space<vmem>>, vector<16xf32>,
      %get3A_681 = vector.shape_cast %get3A_680 : vector<16xf32> to vector<16xf32>
      %sub3A_682 = arith.subf %get3A_678, %get3A_681 : vector<16xf32>
      %get3A_683 = arith.constant 80 : index
      %get3A_684 = tpu.vector_load %arg18[%get3A_683] {strides = array<i32>} : memref<128xf32, #tpu.memory_space<vmem>>, vector<16xf32>,
      %get3A_685 = vector.shape_cast %get3A_684 : vector<16xf32> to vector<16xf32>
      %get3A_686 = arith.constant 80 : index
      %get3A_687 = tpu.vector_load %arg21[%get3A_686] {strides = array<i32>} : memref<128xf32, #tpu.memory_space<vmem>>, vector<16xf32>,
      %get3A_688 = vector.shape_cast %get3A_687 : vector<16xf32> to vector<16xf32>
      %sub3A_689 = arith.subf %get3A_685, %get3A_688 : vector<16xf32>
      %mul3A_690 = arith.mulf %sub3A_675, %sub3A_675 : vector<16xf32>
      %mul3A_691 = arith.mulf %sub3A_682, %sub3A_682 : vector<16xf32>
      %add3A_692 = arith.addf %mul3A_690, %mul3A_691 : vector<16xf32>
      %mul3A_693 = arith.mulf %sub3A_689, %sub3A_689 : vector<16xf32>
      %add3A_694 = arith.addf %add3A_692, %mul3A_693 : vector<16xf32>
      %bitcast_convert_type3A_695 = tpu.bitcast %add3A_694 : vector<16xf32> -> vector<16xi32>
      %shift_right_logical3A_696 = arith.constant 1 : i32
      %shift_right_logical3A_697 = vector.broadcast %shift_right_logical3A_696 : i32 to vector<16xi32>
      %shift_right_logical3A_698 = arith.shrui %bitcast_convert_type3A_695, %shift_right_logical3A_697 : vector<16xi32>
      %sub3A_699 = arith.constant 1597463007 : i32
      %sub3A_700 = vector.broadcast %sub3A_699 : i32 to vector<16xi32>
      %sub3A_701 = arith.subi %sub3A_700, %shift_right_logical3A_698 : vector<16xi32>
      %bitcast_convert_type3A_702 = tpu.bitcast %sub3A_701 : vector<16xi32> -> vector<16xf32>
      %mul3A_703 = arith.constant 5.000000e-01 : f32
      %mul3A_704 = vector.broadcast %mul3A_703 : f32 to vector<16xf32>
      %mul3A_705 = arith.mulf %mul3A_704, %add3A_694 : vector<16xf32>
      %mul3A_706 = arith.mulf %mul3A_705, %bitcast_convert_type3A_702 : vector<16xf32>
      %mul3A_707 = arith.mulf %mul3A_706, %bitcast_convert_type3A_702 : vector<16xf32>
      %sub3A_708 = arith.constant 1.500000e+00 : f32
      %sub3A_709 = vector.broadcast %sub3A_708 : f32 to vector<16xf32>
      %sub3A_710 = arith.subf %sub3A_709, %mul3A_707 : vector<16xf32>
      %mul3A_711 = arith.mulf %bitcast_convert_type3A_702, %sub3A_710 : vector<16xf32>
      %mul3A_712 = arith.mulf %mul3A_705, %mul3A_711 : vector<16xf32>
      %mul3A_713 = arith.mulf %mul3A_712, %mul3A_711 : vector<16xf32>
      %sub3A_714 = arith.constant 1.500000e+00 : f32
      %sub3A_715 = vector.broadcast %sub3A_714 : f32 to vector<16xf32>
      %sub3A_716 = arith.subf %sub3A_715, %mul3A_713 : vector<16xf32>
      %mul3A_717 = arith.mulf %mul3A_711, %sub3A_716 : vector<16xf32>
      %mul3A_718 = arith.mulf %mul3A_705, %mul3A_717 : vector<16xf32>
      %mul3A_719 = arith.mulf %mul3A_718, %mul3A_717 : vector<16xf32>
      %sub3A_720 = arith.constant 1.500000e+00 : f32
      %sub3A_721 = vector.broadcast %sub3A_720 : f32 to vector<16xf32>
      %sub3A_722 = arith.subf %sub3A_721, %mul3A_719 : vector<16xf32>
      %mul3A_723 = arith.mulf %mul3A_717, %sub3A_722 : vector<16xf32>
      %mul3A_724 = arith.mulf %add3A_694, %mul3A_723 : vector<16xf32>
      %mul3A_725 = arith.constant 128 : i32
      %mul3A_726 = arith.muli %scan3A_26, %mul3A_725 : i32
      %add3A_727 = arith.constant 80 : i32
      %add3A_728 = arith.addi %mul3A_726, %add3A_727 : i32
      %get3A_729 = arith.index_cast %add3A_728 : i32 to index
      %get3A_730 = tpu.vector_load %arg15[%get3A_729] {strides = array<i32>} : memref<10240xf32, #tpu.memory_space<vmem>>, vector<16xf32>,
      %get3A_731 = vector.shape_cast %get3A_730 : vector<16xf32> to vector<16xf32>
      %sub3A_732 = arith.subf %mul3A_724, %get3A_731 : vector<16xf32>
      %mul3A_733 = arith.constant 128 : i32
      %mul3A_734 = arith.muli %scan3A_26, %mul3A_733 : i32
      %add3A_735 = arith.addi %mul3A_10, %mul3A_734 : i32
      %add3A_736 = arith.constant 80 : i32
      %add3A_737 = arith.addi %add3A_735, %add3A_736 : i32
      %add3A_738 = vector.broadcast %add3A_737 : i32 to vector<16xi32>
      %add3A_739 = arith.addi %add3A_738, %iota3A : vector<16xi32>
      %lt3A_740 = arith.constant 319600 : i32
      %lt3A_741 = vector.broadcast %lt3A_740 : i32 to vector<16xi32>
      %lt3A_742 = arith.cmpi slt, %add3A_739, %lt3A_741 : vector<16xi32>
      %mul3A_743 = vector.broadcast %scan3A_11 : f32 to vector<16xf32>
      %mul3A_744 = arith.mulf %mul3A_743, %sub3A_732 : vector<16xf32>
      %mul3A_745 = arith.mulf %mul3A_744, %sub3A_732 : vector<16xf32>
      %jit3A_746 = arith.constant 0.000000e+00 : f32
      %broadcast_in_dim3A_747 = vector.broadcast %jit3A_746 : f32 to vector<16xf32>
      %select_n3A_748 = arith.select %lt3A_742, %mul3A_745, %broadcast_in_dim3A_747 : vector<16xi1>, vector<16xf32>
      %get3A_749 = arith.constant 0 : index
      %get3A_750 = tpu.vector_load %arg28[%get3A_749] {strides = array<i32>} : memref<16xf32, #tpu.memory_space<vmem>>, vector<16xf32>,
      %get3A_751 = vector.shape_cast %get3A_750 : vector<16xf32> to vector<16xf32>
      %add3A_752 = arith.addf %get3A_751, %select_n3A_748 : vector<16xf32>
      %swap3A_753 = arith.constant 0 : index
      %swap3A_754 = tpu.vector_load %arg28[%swap3A_753] {strides = array<i32>} : memref<16xf32, #tpu.memory_space<vmem>>, vector<16xf32>,
      %swap3A_755 = vector.shape_cast %swap3A_754 : vector<16xf32> to vector<16xf32>
      %swap3A_756 = vector.shape_cast %add3A_752 : vector<16xf32> to vector<16xf32>
      tpu.vector_store %arg28[%swap3A_753], %swap3A_756 {strides = array<i32>} : memref<16xf32, #tpu.memory_space<vmem>>, vector<16xf32>,
      %mul3A_757 = vector.broadcast %scan3A_12 : f32 to vector<16xf32>
      %mul3A_758 = arith.mulf %mul3A_757, %sub3A_732 : vector<16xf32>
      %mul3A_759 = arith.mulf %mul3A_758, %mul3A_723 : vector<16xf32>
      %jit3A_760 = arith.constant 0.000000e+00 : f32
      %broadcast_in_dim3A_761 = vector.broadcast %jit3A_760 : f32 to vector<16xf32>
      %select_n3A_762 = arith.select %lt3A_742, %mul3A_759, %broadcast_in_dim3A_761 : vector<16xi1>, vector<16xf32>
      %mul3A_763 = arith.mulf %select_n3A_762, %sub3A_675 : vector<16xf32>
      %mul3A_764 = arith.mulf %select_n3A_762, %sub3A_682 : vector<16xf32>
      %mul3A_765 = arith.mulf %select_n3A_762, %sub3A_689 : vector<16xf32>
      %swap3A_766 = arith.constant 80 : index
      %swap3A_767 = tpu.vector_load %arg22[%swap3A_766] {strides = array<i32>} : memref<128xf32, #tpu.memory_space<vmem>>, vector<16xf32>,
      %swap3A_768 = vector.shape_cast %swap3A_767 : vector<16xf32> to vector<16xf32>
      %swap3A_769 = vector.shape_cast %mul3A_763 : vector<16xf32> to vector<16xf32>
      tpu.vector_store %arg22[%swap3A_766], %swap3A_769 {strides = array<i32>} : memref<128xf32, #tpu.memory_space<vmem>>, vector<16xf32>,
      %swap3A_770 = arith.constant 80 : index
      %swap3A_771 = tpu.vector_load %arg23[%swap3A_770] {strides = array<i32>} : memref<128xf32, #tpu.memory_space<vmem>>, vector<16xf32>,
      %swap3A_772 = vector.shape_cast %swap3A_771 : vector<16xf32> to vector<16xf32>
      %swap3A_773 = vector.shape_cast %mul3A_764 : vector<16xf32> to vector<16xf32>
      tpu.vector_store %arg23[%swap3A_770], %swap3A_773 {strides = array<i32>} : memref<128xf32, #tpu.memory_space<vmem>>, vector<16xf32>,
      %swap3A_774 = arith.constant 80 : index
      %swap3A_775 = tpu.vector_load %arg24[%swap3A_774] {strides = array<i32>} : memref<128xf32, #tpu.memory_space<vmem>>, vector<16xf32>,
      %swap3A_776 = vector.shape_cast %swap3A_775 : vector<16xf32> to vector<16xf32>
      %swap3A_777 = vector.shape_cast %mul3A_765 : vector<16xf32> to vector<16xf32>
      tpu.vector_store %arg24[%swap3A_774], %swap3A_777 {strides = array<i32>} : memref<128xf32, #tpu.memory_space<vmem>>, vector<16xf32>,
      %neg3A_778 = arith.constant 0.000000e+00 : f32
      %neg3A_779 = vector.broadcast %neg3A_778 : f32 to vector<16xf32>
      %neg3A_780 = arith.subf %neg3A_779, %mul3A_763 : vector<16xf32>
      %swap3A_781 = arith.constant 80 : index
      %swap3A_782 = tpu.vector_load %arg25[%swap3A_781] {strides = array<i32>} : memref<128xf32, #tpu.memory_space<vmem>>, vector<16xf32>,
      %swap3A_783 = vector.shape_cast %swap3A_782 : vector<16xf32> to vector<16xf32>
      %swap3A_784 = vector.shape_cast %neg3A_780 : vector<16xf32> to vector<16xf32>
      tpu.vector_store %arg25[%swap3A_781], %swap3A_784 {strides = array<i32>} : memref<128xf32, #tpu.memory_space<vmem>>, vector<16xf32>,
      %neg3A_785 = arith.constant 0.000000e+00 : f32
      %neg3A_786 = vector.broadcast %neg3A_785 : f32 to vector<16xf32>
      %neg3A_787 = arith.subf %neg3A_786, %mul3A_764 : vector<16xf32>
      %swap3A_788 = arith.constant 80 : index
      %swap3A_789 = tpu.vector_load %arg26[%swap3A_788] {strides = array<i32>} : memref<128xf32, #tpu.memory_space<vmem>>, vector<16xf32>,
      %swap3A_790 = vector.shape_cast %swap3A_789 : vector<16xf32> to vector<16xf32>
      %swap3A_791 = vector.shape_cast %neg3A_787 : vector<16xf32> to vector<16xf32>
      tpu.vector_store %arg26[%swap3A_788], %swap3A_791 {strides = array<i32>} : memref<128xf32, #tpu.memory_space<vmem>>, vector<16xf32>,
      %neg3A_792 = arith.constant 0.000000e+00 : f32
      %neg3A_793 = vector.broadcast %neg3A_792 : f32 to vector<16xf32>
      %neg3A_794 = arith.subf %neg3A_793, %mul3A_765 : vector<16xf32>
      %swap3A_795 = arith.constant 80 : index
      %swap3A_796 = tpu.vector_load %arg27[%swap3A_795] {strides = array<i32>} : memref<128xf32, #tpu.memory_space<vmem>>, vector<16xf32>,
      %swap3A_797 = vector.shape_cast %swap3A_796 : vector<16xf32> to vector<16xf32>
      %swap3A_798 = vector.shape_cast %neg3A_794 : vector<16xf32> to vector<16xf32>
      tpu.vector_store %arg27[%swap3A_795], %swap3A_798 {strides = array<i32>} : memref<128xf32, #tpu.memory_space<vmem>>, vector<16xf32>,
      %get3A_799 = arith.constant 96 : index
      %get3A_800 = tpu.vector_load %arg16[%get3A_799] {strides = array<i32>} : memref<128xf32, #tpu.memory_space<vmem>>, vector<16xf32>,
      %get3A_801 = vector.shape_cast %get3A_800 : vector<16xf32> to vector<16xf32>
      %get3A_802 = arith.constant 96 : index
      %get3A_803 = tpu.vector_load %arg19[%get3A_802] {strides = array<i32>} : memref<128xf32, #tpu.memory_space<vmem>>, vector<16xf32>,
      %get3A_804 = vector.shape_cast %get3A_803 : vector<16xf32> to vector<16xf32>
      %sub3A_805 = arith.subf %get3A_801, %get3A_804 : vector<16xf32>
      %get3A_806 = arith.constant 96 : index
      %get3A_807 = tpu.vector_load %arg17[%get3A_806] {strides = array<i32>} : memref<128xf32, #tpu.memory_space<vmem>>, vector<16xf32>,
      %get3A_808 = vector.shape_cast %get3A_807 : vector<16xf32> to vector<16xf32>
      %get3A_809 = arith.constant 96 : index
      %get3A_810 = tpu.vector_load %arg20[%get3A_809] {strides = array<i32>} : memref<128xf32, #tpu.memory_space<vmem>>, vector<16xf32>,
      %get3A_811 = vector.shape_cast %get3A_810 : vector<16xf32> to vector<16xf32>
      %sub3A_812 = arith.subf %get3A_808, %get3A_811 : vector<16xf32>
      %get3A_813 = arith.constant 96 : index
      %get3A_814 = tpu.vector_load %arg18[%get3A_813] {strides = array<i32>} : memref<128xf32, #tpu.memory_space<vmem>>, vector<16xf32>,
      %get3A_815 = vector.shape_cast %get3A_814 : vector<16xf32> to vector<16xf32>
      %get3A_816 = arith.constant 96 : index
      %get3A_817 = tpu.vector_load %arg21[%get3A_816] {strides = array<i32>} : memref<128xf32, #tpu.memory_space<vmem>>, vector<16xf32>,
      %get3A_818 = vector.shape_cast %get3A_817 : vector<16xf32> to vector<16xf32>
      %sub3A_819 = arith.subf %get3A_815, %get3A_818 : vector<16xf32>
      %mul3A_820 = arith.mulf %sub3A_805, %sub3A_805 : vector<16xf32>
      %mul3A_821 = arith.mulf %sub3A_812, %sub3A_812 : vector<16xf32>
      %add3A_822 = arith.addf %mul3A_820, %mul3A_821 : vector<16xf32>
      %mul3A_823 = arith.mulf %sub3A_819, %sub3A_819 : vector<16xf32>
      %add3A_824 = arith.addf %add3A_822, %mul3A_823 : vector<16xf32>
      %bitcast_convert_type3A_825 = tpu.bitcast %add3A_824 : vector<16xf32> -> vector<16xi32>
      %shift_right_logical3A_826 = arith.constant 1 : i32
      %shift_right_logical3A_827 = vector.broadcast %shift_right_logical3A_826 : i32 to vector<16xi32>
      %shift_right_logical3A_828 = arith.shrui %bitcast_convert_type3A_825, %shift_right_logical3A_827 : vector<16xi32>
      %sub3A_829 = arith.constant 1597463007 : i32
      %sub3A_830 = vector.broadcast %sub3A_829 : i32 to vector<16xi32>
      %sub3A_831 = arith.subi %sub3A_830, %shift_right_logical3A_828 : vector<16xi32>
      %bitcast_convert_type3A_832 = tpu.bitcast %sub3A_831 : vector<16xi32> -> vector<16xf32>
      %mul3A_833 = arith.constant 5.000000e-01 : f32
      %mul3A_834 = vector.broadcast %mul3A_833 : f32 to vector<16xf32>
      %mul3A_835 = arith.mulf %mul3A_834, %add3A_824 : vector<16xf32>
      %mul3A_836 = arith.mulf %mul3A_835, %bitcast_convert_type3A_832 : vector<16xf32>
      %mul3A_837 = arith.mulf %mul3A_836, %bitcast_convert_type3A_832 : vector<16xf32>
      %sub3A_838 = arith.constant 1.500000e+00 : f32
      %sub3A_839 = vector.broadcast %sub3A_838 : f32 to vector<16xf32>
      %sub3A_840 = arith.subf %sub3A_839, %mul3A_837 : vector<16xf32>
      %mul3A_841 = arith.mulf %bitcast_convert_type3A_832, %sub3A_840 : vector<16xf32>
      %mul3A_842 = arith.mulf %mul3A_835, %mul3A_841 : vector<16xf32>
      %mul3A_843 = arith.mulf %mul3A_842, %mul3A_841 : vector<16xf32>
      %sub3A_844 = arith.constant 1.500000e+00 : f32
      %sub3A_845 = vector.broadcast %sub3A_844 : f32 to vector<16xf32>
      %sub3A_846 = arith.subf %sub3A_845, %mul3A_843 : vector<16xf32>
      %mul3A_847 = arith.mulf %mul3A_841, %sub3A_846 : vector<16xf32>
      %mul3A_848 = arith.mulf %mul3A_835, %mul3A_847 : vector<16xf32>
      %mul3A_849 = arith.mulf %mul3A_848, %mul3A_847 : vector<16xf32>
      %sub3A_850 = arith.constant 1.500000e+00 : f32
      %sub3A_851 = vector.broadcast %sub3A_850 : f32 to vector<16xf32>
      %sub3A_852 = arith.subf %sub3A_851, %mul3A_849 : vector<16xf32>
      %mul3A_853 = arith.mulf %mul3A_847, %sub3A_852 : vector<16xf32>
      %mul3A_854 = arith.mulf %add3A_824, %mul3A_853 : vector<16xf32>
      %mul3A_855 = arith.constant 128 : i32
      %mul3A_856 = arith.muli %scan3A_26, %mul3A_855 : i32
      %add3A_857 = arith.constant 96 : i32
      %add3A_858 = arith.addi %mul3A_856, %add3A_857 : i32
      %get3A_859 = arith.index_cast %add3A_858 : i32 to index
      %get3A_860 = tpu.vector_load %arg15[%get3A_859] {strides = array<i32>} : memref<10240xf32, #tpu.memory_space<vmem>>, vector<16xf32>,
      %get3A_861 = vector.shape_cast %get3A_860 : vector<16xf32> to vector<16xf32>
      %sub3A_862 = arith.subf %mul3A_854, %get3A_861 : vector<16xf32>
      %mul3A_863 = arith.constant 128 : i32
      %mul3A_864 = arith.muli %scan3A_26, %mul3A_863 : i32
      %add3A_865 = arith.addi %mul3A_10, %mul3A_864 : i32
      %add3A_866 = arith.constant 96 : i32
      %add3A_867 = arith.addi %add3A_865, %add3A_866 : i32
      %add3A_868 = vector.broadcast %add3A_867 : i32 to vector<16xi32>
      %add3A_869 = arith.addi %add3A_868, %iota3A : vector<16xi32>
      %lt3A_870 = arith.constant 319600 : i32
      %lt3A_871 = vector.broadcast %lt3A_870 : i32 to vector<16xi32>
      %lt3A_872 = arith.cmpi slt, %add3A_869, %lt3A_871 : vector<16xi32>
      %mul3A_873 = vector.broadcast %scan3A_11 : f32 to vector<16xf32>
      %mul3A_874 = arith.mulf %mul3A_873, %sub3A_862 : vector<16xf32>
      %mul3A_875 = arith.mulf %mul3A_874, %sub3A_862 : vector<16xf32>
      %jit3A_876 = arith.constant 0.000000e+00 : f32
      %broadcast_in_dim3A_877 = vector.broadcast %jit3A_876 : f32 to vector<16xf32>
      %select_n3A_878 = arith.select %lt3A_872, %mul3A_875, %broadcast_in_dim3A_877 : vector<16xi1>, vector<16xf32>
      %get3A_879 = arith.constant 0 : index
      %get3A_880 = tpu.vector_load %arg28[%get3A_879] {strides = array<i32>} : memref<16xf32, #tpu.memory_space<vmem>>, vector<16xf32>,
      %get3A_881 = vector.shape_cast %get3A_880 : vector<16xf32> to vector<16xf32>
      %add3A_882 = arith.addf %get3A_881, %select_n3A_878 : vector<16xf32>
      %swap3A_883 = arith.constant 0 : index
      %swap3A_884 = tpu.vector_load %arg28[%swap3A_883] {strides = array<i32>} : memref<16xf32, #tpu.memory_space<vmem>>, vector<16xf32>,
      %swap3A_885 = vector.shape_cast %swap3A_884 : vector<16xf32> to vector<16xf32>
      %swap3A_886 = vector.shape_cast %add3A_882 : vector<16xf32> to vector<16xf32>
      tpu.vector_store %arg28[%swap3A_883], %swap3A_886 {strides = array<i32>} : memref<16xf32, #tpu.memory_space<vmem>>, vector<16xf32>,
      %mul3A_887 = vector.broadcast %scan3A_12 : f32 to vector<16xf32>
      %mul3A_888 = arith.mulf %mul3A_887, %sub3A_862 : vector<16xf32>
      %mul3A_889 = arith.mulf %mul3A_888, %mul3A_853 : vector<16xf32>
      %jit3A_890 = arith.constant 0.000000e+00 : f32
      %broadcast_in_dim3A_891 = vector.broadcast %jit3A_890 : f32 to vector<16xf32>
      %select_n3A_892 = arith.select %lt3A_872, %mul3A_889, %broadcast_in_dim3A_891 : vector<16xi1>, vector<16xf32>
      %mul3A_893 = arith.mulf %select_n3A_892, %sub3A_805 : vector<16xf32>
      %mul3A_894 = arith.mulf %select_n3A_892, %sub3A_812 : vector<16xf32>
      %mul3A_895 = arith.mulf %select_n3A_892, %sub3A_819 : vector<16xf32>
      %swap3A_896 = arith.constant 96 : index
      %swap3A_897 = tpu.vector_load %arg22[%swap3A_896] {strides = array<i32>} : memref<128xf32, #tpu.memory_space<vmem>>, vector<16xf32>,
      %swap3A_898 = vector.shape_cast %swap3A_897 : vector<16xf32> to vector<16xf32>
      %swap3A_899 = vector.shape_cast %mul3A_893 : vector<16xf32> to vector<16xf32>
      tpu.vector_store %arg22[%swap3A_896], %swap3A_899 {strides = array<i32>} : memref<128xf32, #tpu.memory_space<vmem>>, vector<16xf32>,
      %swap3A_900 = arith.constant 96 : index
      %swap3A_901 = tpu.vector_load %arg23[%swap3A_900] {strides = array<i32>} : memref<128xf32, #tpu.memory_space<vmem>>, vector<16xf32>,
      %swap3A_902 = vector.shape_cast %swap3A_901 : vector<16xf32> to vector<16xf32>
      %swap3A_903 = vector.shape_cast %mul3A_894 : vector<16xf32> to vector<16xf32>
      tpu.vector_store %arg23[%swap3A_900], %swap3A_903 {strides = array<i32>} : memref<128xf32, #tpu.memory_space<vmem>>, vector<16xf32>,
      %swap3A_904 = arith.constant 96 : index
      %swap3A_905 = tpu.vector_load %arg24[%swap3A_904] {strides = array<i32>} : memref<128xf32, #tpu.memory_space<vmem>>, vector<16xf32>,
      %swap3A_906 = vector.shape_cast %swap3A_905 : vector<16xf32> to vector<16xf32>
      %swap3A_907 = vector.shape_cast %mul3A_895 : vector<16xf32> to vector<16xf32>
      tpu.vector_store %arg24[%swap3A_904], %swap3A_907 {strides = array<i32>} : memref<128xf32, #tpu.memory_space<vmem>>, vector<16xf32>,
      %neg3A_908 = arith.constant 0.000000e+00 : f32
      %neg3A_909 = vector.broadcast %neg3A_908 : f32 to vector<16xf32>
      %neg3A_910 = arith.subf %neg3A_909, %mul3A_893 : vector<16xf32>
      %swap3A_911 = arith.constant 96 : index
      %swap3A_912 = tpu.vector_load %arg25[%swap3A_911] {strides = array<i32>} : memref<128xf32, #tpu.memory_space<vmem>>, vector<16xf32>,
      %swap3A_913 = vector.shape_cast %swap3A_912 : vector<16xf32> to vector<16xf32>
      %swap3A_914 = vector.shape_cast %neg3A_910 : vector<16xf32> to vector<16xf32>
      tpu.vector_store %arg25[%swap3A_911], %swap3A_914 {strides = array<i32>} : memref<128xf32, #tpu.memory_space<vmem>>, vector<16xf32>,
      %neg3A_915 = arith.constant 0.000000e+00 : f32
      %neg3A_916 = vector.broadcast %neg3A_915 : f32 to vector<16xf32>
      %neg3A_917 = arith.subf %neg3A_916, %mul3A_894 : vector<16xf32>
      %swap3A_918 = arith.constant 96 : index
      %swap3A_919 = tpu.vector_load %arg26[%swap3A_918] {strides = array<i32>} : memref<128xf32, #tpu.memory_space<vmem>>, vector<16xf32>,
      %swap3A_920 = vector.shape_cast %swap3A_919 : vector<16xf32> to vector<16xf32>
      %swap3A_921 = vector.shape_cast %neg3A_917 : vector<16xf32> to vector<16xf32>
      tpu.vector_store %arg26[%swap3A_918], %swap3A_921 {strides = array<i32>} : memref<128xf32, #tpu.memory_space<vmem>>, vector<16xf32>,
      %neg3A_922 = arith.constant 0.000000e+00 : f32
      %neg3A_923 = vector.broadcast %neg3A_922 : f32 to vector<16xf32>
      %neg3A_924 = arith.subf %neg3A_923, %mul3A_895 : vector<16xf32>
      %swap3A_925 = arith.constant 96 : index
      %swap3A_926 = tpu.vector_load %arg27[%swap3A_925] {strides = array<i32>} : memref<128xf32, #tpu.memory_space<vmem>>, vector<16xf32>,
      %swap3A_927 = vector.shape_cast %swap3A_926 : vector<16xf32> to vector<16xf32>
      %swap3A_928 = vector.shape_cast %neg3A_924 : vector<16xf32> to vector<16xf32>
      tpu.vector_store %arg27[%swap3A_925], %swap3A_928 {strides = array<i32>} : memref<128xf32, #tpu.memory_space<vmem>>, vector<16xf32>,
      %get3A_929 = arith.constant 112 : index
      %get3A_930 = tpu.vector_load %arg16[%get3A_929] {strides = array<i32>} : memref<128xf32, #tpu.memory_space<vmem>>, vector<16xf32>,
      %get3A_931 = vector.shape_cast %get3A_930 : vector<16xf32> to vector<16xf32>
      %get3A_932 = arith.constant 112 : index
      %get3A_933 = tpu.vector_load %arg19[%get3A_932] {strides = array<i32>} : memref<128xf32, #tpu.memory_space<vmem>>, vector<16xf32>,
      %get3A_934 = vector.shape_cast %get3A_933 : vector<16xf32> to vector<16xf32>
      %sub3A_935 = arith.subf %get3A_931, %get3A_934 : vector<16xf32>
      %get3A_936 = arith.constant 112 : index
      %get3A_937 = tpu.vector_load %arg17[%get3A_936] {strides = array<i32>} : memref<128xf32, #tpu.memory_space<vmem>>, vector<16xf32>,
      %get3A_938 = vector.shape_cast %get3A_937 : vector<16xf32> to vector<16xf32>
      %get3A_939 = arith.constant 112 : index
      %get3A_940 = tpu.vector_load %arg20[%get3A_939] {strides = array<i32>} : memref<128xf32, #tpu.memory_space<vmem>>, vector<16xf32>,
      %get3A_941 = vector.shape_cast %get3A_940 : vector<16xf32> to vector<16xf32>
      %sub3A_942 = arith.subf %get3A_938, %get3A_941 : vector<16xf32>
      %get3A_943 = arith.constant 112 : index
      %get3A_944 = tpu.vector_load %arg18[%get3A_943] {strides = array<i32>} : memref<128xf32, #tpu.memory_space<vmem>>, vector<16xf32>,
      %get3A_945 = vector.shape_cast %get3A_944 : vector<16xf32> to vector<16xf32>
      %get3A_946 = arith.constant 112 : index
      %get3A_947 = tpu.vector_load %arg21[%get3A_946] {strides = array<i32>} : memref<128xf32, #tpu.memory_space<vmem>>, vector<16xf32>,
      %get3A_948 = vector.shape_cast %get3A_947 : vector<16xf32> to vector<16xf32>
      %sub3A_949 = arith.subf %get3A_945, %get3A_948 : vector<16xf32>
      %mul3A_950 = arith.mulf %sub3A_935, %sub3A_935 : vector<16xf32>
      %mul3A_951 = arith.mulf %sub3A_942, %sub3A_942 : vector<16xf32>
      %add3A_952 = arith.addf %mul3A_950, %mul3A_951 : vector<16xf32>
      %mul3A_953 = arith.mulf %sub3A_949, %sub3A_949 : vector<16xf32>
      %add3A_954 = arith.addf %add3A_952, %mul3A_953 : vector<16xf32>
      %bitcast_convert_type3A_955 = tpu.bitcast %add3A_954 : vector<16xf32> -> vector<16xi32>
      %shift_right_logical3A_956 = arith.constant 1 : i32
      %shift_right_logical3A_957 = vector.broadcast %shift_right_logical3A_956 : i32 to vector<16xi32>
      %shift_right_logical3A_958 = arith.shrui %bitcast_convert_type3A_955, %shift_right_logical3A_957 : vector<16xi32>
      %sub3A_959 = arith.constant 1597463007 : i32
      %sub3A_960 = vector.broadcast %sub3A_959 : i32 to vector<16xi32>
      %sub3A_961 = arith.subi %sub3A_960, %shift_right_logical3A_958 : vector<16xi32>
      %bitcast_convert_type3A_962 = tpu.bitcast %sub3A_961 : vector<16xi32> -> vector<16xf32>
      %mul3A_963 = arith.constant 5.000000e-01 : f32
      %mul3A_964 = vector.broadcast %mul3A_963 : f32 to vector<16xf32>
      %mul3A_965 = arith.mulf %mul3A_964, %add3A_954 : vector<16xf32>
      %mul3A_966 = arith.mulf %mul3A_965, %bitcast_convert_type3A_962 : vector<16xf32>
      %mul3A_967 = arith.mulf %mul3A_966, %bitcast_convert_type3A_962 : vector<16xf32>
      %sub3A_968 = arith.constant 1.500000e+00 : f32
      %sub3A_969 = vector.broadcast %sub3A_968 : f32 to vector<16xf32>
      %sub3A_970 = arith.subf %sub3A_969, %mul3A_967 : vector<16xf32>
      %mul3A_971 = arith.mulf %bitcast_convert_type3A_962, %sub3A_970 : vector<16xf32>
      %mul3A_972 = arith.mulf %mul3A_965, %mul3A_971 : vector<16xf32>
      %mul3A_973 = arith.mulf %mul3A_972, %mul3A_971 : vector<16xf32>
      %sub3A_974 = arith.constant 1.500000e+00 : f32
      %sub3A_975 = vector.broadcast %sub3A_974 : f32 to vector<16xf32>
      %sub3A_976 = arith.subf %sub3A_975, %mul3A_973 : vector<16xf32>
      %mul3A_977 = arith.mulf %mul3A_971, %sub3A_976 : vector<16xf32>
      %mul3A_978 = arith.mulf %mul3A_965, %mul3A_977 : vector<16xf32>
      %mul3A_979 = arith.mulf %mul3A_978, %mul3A_977 : vector<16xf32>
      %sub3A_980 = arith.constant 1.500000e+00 : f32
      %sub3A_981 = vector.broadcast %sub3A_980 : f32 to vector<16xf32>
      %sub3A_982 = arith.subf %sub3A_981, %mul3A_979 : vector<16xf32>
      %mul3A_983 = arith.mulf %mul3A_977, %sub3A_982 : vector<16xf32>
      %mul3A_984 = arith.mulf %add3A_954, %mul3A_983 : vector<16xf32>
      %mul3A_985 = arith.constant 128 : i32
      %mul3A_986 = arith.muli %scan3A_26, %mul3A_985 : i32
      %add3A_987 = arith.constant 112 : i32
      %add3A_988 = arith.addi %mul3A_986, %add3A_987 : i32
      %get3A_989 = arith.index_cast %add3A_988 : i32 to index
      %get3A_990 = tpu.vector_load %arg15[%get3A_989] {strides = array<i32>} : memref<10240xf32, #tpu.memory_space<vmem>>, vector<16xf32>,
      %get3A_991 = vector.shape_cast %get3A_990 : vector<16xf32> to vector<16xf32>
      %sub3A_992 = arith.subf %mul3A_984, %get3A_991 : vector<16xf32>
      %mul3A_993 = arith.constant 128 : i32
      %mul3A_994 = arith.muli %scan3A_26, %mul3A_993 : i32
      %add3A_995 = arith.addi %mul3A_10, %mul3A_994 : i32
      %add3A_996 = arith.constant 112 : i32
      %add3A_997 = arith.addi %add3A_995, %add3A_996 : i32
      %add3A_998 = vector.broadcast %add3A_997 : i32 to vector<16xi32>
      %add3A_999 = arith.addi %add3A_998, %iota3A : vector<16xi32>
      %lt3A_1000 = arith.constant 319600 : i32
      %lt3A_1001 = vector.broadcast %lt3A_1000 : i32 to vector<16xi32>
      %lt3A_1002 = arith.cmpi slt, %add3A_999, %lt3A_1001 : vector<16xi32>
      %mul3A_1003 = vector.broadcast %scan3A_11 : f32 to vector<16xf32>
      %mul3A_1004 = arith.mulf %mul3A_1003, %sub3A_992 : vector<16xf32>
      %mul3A_1005 = arith.mulf %mul3A_1004, %sub3A_992 : vector<16xf32>
      %jit3A_1006 = arith.constant 0.000000e+00 : f32
      %broadcast_in_dim3A_1007 = vector.broadcast %jit3A_1006 : f32 to vector<16xf32>
      %select_n3A_1008 = arith.select %lt3A_1002, %mul3A_1005, %broadcast_in_dim3A_1007 : vector<16xi1>, vector<16xf32>
      %get3A_1009 = arith.constant 0 : index
      %get3A_1010 = tpu.vector_load %arg28[%get3A_1009] {strides = array<i32>} : memref<16xf32, #tpu.memory_space<vmem>>, vector<16xf32>,
      %get3A_1011 = vector.shape_cast %get3A_1010 : vector<16xf32> to vector<16xf32>
      %add3A_1012 = arith.addf %get3A_1011, %select_n3A_1008 : vector<16xf32>
      %swap3A_1013 = arith.constant 0 : index
      %swap3A_1014 = tpu.vector_load %arg28[%swap3A_1013] {strides = array<i32>} : memref<16xf32, #tpu.memory_space<vmem>>, vector<16xf32>,
      %swap3A_1015 = vector.shape_cast %swap3A_1014 : vector<16xf32> to vector<16xf32>
      %swap3A_1016 = vector.shape_cast %add3A_1012 : vector<16xf32> to vector<16xf32>
      tpu.vector_store %arg28[%swap3A_1013], %swap3A_1016 {strides = array<i32>} : memref<16xf32, #tpu.memory_space<vmem>>, vector<16xf32>,
      %mul3A_1017 = vector.broadcast %scan3A_12 : f32 to vector<16xf32>
      %mul3A_1018 = arith.mulf %mul3A_1017, %sub3A_992 : vector<16xf32>
      %mul3A_1019 = arith.mulf %mul3A_1018, %mul3A_983 : vector<16xf32>
      %jit3A_1020 = arith.constant 0.000000e+00 : f32
      %broadcast_in_dim3A_1021 = vector.broadcast %jit3A_1020 : f32 to vector<16xf32>
      %select_n3A_1022 = arith.select %lt3A_1002, %mul3A_1019, %broadcast_in_dim3A_1021 : vector<16xi1>, vector<16xf32>
      %mul3A_1023 = arith.mulf %select_n3A_1022, %sub3A_935 : vector<16xf32>
      %mul3A_1024 = arith.mulf %select_n3A_1022, %sub3A_942 : vector<16xf32>
      %mul3A_1025 = arith.mulf %select_n3A_1022, %sub3A_949 : vector<16xf32>
      %swap3A_1026 = arith.constant 112 : index
      %swap3A_1027 = tpu.vector_load %arg22[%swap3A_1026] {strides = array<i32>} : memref<128xf32, #tpu.memory_space<vmem>>, vector<16xf32>,
      %swap3A_1028 = vector.shape_cast %swap3A_1027 : vector<16xf32> to vector<16xf32>
      %swap3A_1029 = vector.shape_cast %mul3A_1023 : vector<16xf32> to vector<16xf32>
      tpu.vector_store %arg22[%swap3A_1026], %swap3A_1029 {strides = array<i32>} : memref<128xf32, #tpu.memory_space<vmem>>, vector<16xf32>,
      %swap3A_1030 = arith.constant 112 : index
      %swap3A_1031 = tpu.vector_load %arg23[%swap3A_1030] {strides = array<i32>} : memref<128xf32, #tpu.memory_space<vmem>>, vector<16xf32>,
      %swap3A_1032 = vector.shape_cast %swap3A_1031 : vector<16xf32> to vector<16xf32>
      %swap3A_1033 = vector.shape_cast %mul3A_1024 : vector<16xf32> to vector<16xf32>
      tpu.vector_store %arg23[%swap3A_1030], %swap3A_1033 {strides = array<i32>} : memref<128xf32, #tpu.memory_space<vmem>>, vector<16xf32>,
      %swap3A_1034 = arith.constant 112 : index
      %swap3A_1035 = tpu.vector_load %arg24[%swap3A_1034] {strides = array<i32>} : memref<128xf32, #tpu.memory_space<vmem>>, vector<16xf32>,
      %swap3A_1036 = vector.shape_cast %swap3A_1035 : vector<16xf32> to vector<16xf32>
      %swap3A_1037 = vector.shape_cast %mul3A_1025 : vector<16xf32> to vector<16xf32>
      tpu.vector_store %arg24[%swap3A_1034], %swap3A_1037 {strides = array<i32>} : memref<128xf32, #tpu.memory_space<vmem>>, vector<16xf32>,
      %neg3A_1038 = arith.constant 0.000000e+00 : f32
      %neg3A_1039 = vector.broadcast %neg3A_1038 : f32 to vector<16xf32>
      %neg3A_1040 = arith.subf %neg3A_1039, %mul3A_1023 : vector<16xf32>
      %swap3A_1041 = arith.constant 112 : index
      %swap3A_1042 = tpu.vector_load %arg25[%swap3A_1041] {strides = array<i32>} : memref<128xf32, #tpu.memory_space<vmem>>, vector<16xf32>,
      %swap3A_1043 = vector.shape_cast %swap3A_1042 : vector<16xf32> to vector<16xf32>
      %swap3A_1044 = vector.shape_cast %neg3A_1040 : vector<16xf32> to vector<16xf32>
      tpu.vector_store %arg25[%swap3A_1041], %swap3A_1044 {strides = array<i32>} : memref<128xf32, #tpu.memory_space<vmem>>, vector<16xf32>,
      %neg3A_1045 = arith.constant 0.000000e+00 : f32
      %neg3A_1046 = vector.broadcast %neg3A_1045 : f32 to vector<16xf32>
      %neg3A_1047 = arith.subf %neg3A_1046, %mul3A_1024 : vector<16xf32>
      %swap3A_1048 = arith.constant 112 : index
      %swap3A_1049 = tpu.vector_load %arg26[%swap3A_1048] {strides = array<i32>} : memref<128xf32, #tpu.memory_space<vmem>>, vector<16xf32>,
      %swap3A_1050 = vector.shape_cast %swap3A_1049 : vector<16xf32> to vector<16xf32>
      %swap3A_1051 = vector.shape_cast %neg3A_1047 : vector<16xf32> to vector<16xf32>
      tpu.vector_store %arg26[%swap3A_1048], %swap3A_1051 {strides = array<i32>} : memref<128xf32, #tpu.memory_space<vmem>>, vector<16xf32>,
      %neg3A_1052 = arith.constant 0.000000e+00 : f32
      %neg3A_1053 = vector.broadcast %neg3A_1052 : f32 to vector<16xf32>
      %neg3A_1054 = arith.subf %neg3A_1053, %mul3A_1025 : vector<16xf32>
      %swap3A_1055 = arith.constant 112 : index
      %swap3A_1056 = tpu.vector_load %arg27[%swap3A_1055] {strides = array<i32>} : memref<128xf32, #tpu.memory_space<vmem>>, vector<16xf32>,
      %swap3A_1057 = vector.shape_cast %swap3A_1056 : vector<16xf32> to vector<16xf32>
      %swap3A_1058 = vector.shape_cast %neg3A_1054 : vector<16xf32> to vector<16xf32>
      tpu.vector_store %arg27[%swap3A_1055], %swap3A_1058 {strides = array<i32>} : memref<128xf32, #tpu.memory_space<vmem>>, vector<16xf32>,
      "tpu.region"() ({
        %run_scoped3A = tpu.sem_alloc : memref<!tpu.dma_semaphore, #tpu.memory_space<semaphore_mem>>
        %dma_start3A = arith.constant 0 : i32
        %dma_start3A_1059 = tpu.memref_slice %arg13[%scan3A_26, %dma_start3A] : memref<80x128xi32, #tpu.memory_space<vmem>> -> memref<1x128xi32, #tpu.memory_space<vmem>>
        %dma_start3A_1060 = tpu.memref_squeeze %dma_start3A_1059 : memref<1x128xi32, #tpu.memory_space<vmem>> -> memref<128xi32, #tpu.memory_space<vmem>>
        %dma_start3A_1061 = arith.constant 0 : i32
        %dma_start3A_1062 = tpu.memref_slice %arg30[%dma_start3A_1061] : memref<50048xf32, #tpu.memory_space<vmem_shared>> -> memref<50048xf32, #tpu.memory_space<vmem_shared>>
        tpu.enqueue_indirect_dma source(%arg22 : memref<128xf32, #tpu.memory_space<vmem>>) target(%dma_start3A_1062 : memref<50048xf32, #tpu.memory_space<vmem_shared>>) offsets(%dma_start3A_1060 : memref<128xi32, #tpu.memory_space<vmem>>) semaphore(%run_scoped3A : memref<!tpu.dma_semaphore, #tpu.memory_space<semaphore_mem>>) {add = true}
        %dma_wait3A = arith.constant 0 : i32
        %dma_wait3A_1063 = tpu.memref_slice %arg13[%scan3A_26, %dma_wait3A] : memref<80x128xi32, #tpu.memory_space<vmem>> -> memref<1x128xi32, #tpu.memory_space<vmem>>
        %dma_wait3A_1064 = tpu.memref_squeeze %dma_wait3A_1063 : memref<1x128xi32, #tpu.memory_space<vmem>> -> memref<128xi32, #tpu.memory_space<vmem>>
        %dma_wait3A_1065 = arith.constant 0 : i32
        %dma_wait3A_1066 = tpu.memref_slice %arg30[%dma_wait3A_1065] : memref<50048xf32, #tpu.memory_space<vmem_shared>> -> memref<50048xf32, #tpu.memory_space<vmem_shared>>
        tpu.wait_indirect_dma semaphore(%run_scoped3A : memref<!tpu.dma_semaphore, #tpu.memory_space<semaphore_mem>>) src(%arg22 : memref<128xf32, #tpu.memory_space<vmem>>) dst(%dma_wait3A_1066 : memref<50048xf32, #tpu.memory_space<vmem_shared>>)
        tpu.yield
      }) : () -> ()
      "tpu.region"() ({
        %run_scoped3A = tpu.sem_alloc : memref<!tpu.dma_semaphore, #tpu.memory_space<semaphore_mem>>
        %dma_start3A = arith.constant 0 : i32
        %dma_start3A_1059 = tpu.memref_slice %arg13[%scan3A_26, %dma_start3A] : memref<80x128xi32, #tpu.memory_space<vmem>> -> memref<1x128xi32, #tpu.memory_space<vmem>>
        %dma_start3A_1060 = tpu.memref_squeeze %dma_start3A_1059 : memref<1x128xi32, #tpu.memory_space<vmem>> -> memref<128xi32, #tpu.memory_space<vmem>>
        %dma_start3A_1061 = arith.constant 0 : i32
        %dma_start3A_1062 = tpu.memref_slice %arg31[%dma_start3A_1061] : memref<50048xf32, #tpu.memory_space<vmem_shared>> -> memref<50048xf32, #tpu.memory_space<vmem_shared>>
        tpu.enqueue_indirect_dma source(%arg23 : memref<128xf32, #tpu.memory_space<vmem>>) target(%dma_start3A_1062 : memref<50048xf32, #tpu.memory_space<vmem_shared>>) offsets(%dma_start3A_1060 : memref<128xi32, #tpu.memory_space<vmem>>) semaphore(%run_scoped3A : memref<!tpu.dma_semaphore, #tpu.memory_space<semaphore_mem>>) {add = true}
        %dma_wait3A = arith.constant 0 : i32
        %dma_wait3A_1063 = tpu.memref_slice %arg13[%scan3A_26, %dma_wait3A] : memref<80x128xi32, #tpu.memory_space<vmem>> -> memref<1x128xi32, #tpu.memory_space<vmem>>
        %dma_wait3A_1064 = tpu.memref_squeeze %dma_wait3A_1063 : memref<1x128xi32, #tpu.memory_space<vmem>> -> memref<128xi32, #tpu.memory_space<vmem>>
        %dma_wait3A_1065 = arith.constant 0 : i32
        %dma_wait3A_1066 = tpu.memref_slice %arg31[%dma_wait3A_1065] : memref<50048xf32, #tpu.memory_space<vmem_shared>> -> memref<50048xf32, #tpu.memory_space<vmem_shared>>
        tpu.wait_indirect_dma semaphore(%run_scoped3A : memref<!tpu.dma_semaphore, #tpu.memory_space<semaphore_mem>>) src(%arg23 : memref<128xf32, #tpu.memory_space<vmem>>) dst(%dma_wait3A_1066 : memref<50048xf32, #tpu.memory_space<vmem_shared>>)
        tpu.yield
      }) : () -> ()
      "tpu.region"() ({
        %run_scoped3A = tpu.sem_alloc : memref<!tpu.dma_semaphore, #tpu.memory_space<semaphore_mem>>
        %dma_start3A = arith.constant 0 : i32
        %dma_start3A_1059 = tpu.memref_slice %arg13[%scan3A_26, %dma_start3A] : memref<80x128xi32, #tpu.memory_space<vmem>> -> memref<1x128xi32, #tpu.memory_space<vmem>>
        %dma_start3A_1060 = tpu.memref_squeeze %dma_start3A_1059 : memref<1x128xi32, #tpu.memory_space<vmem>> -> memref<128xi32, #tpu.memory_space<vmem>>
        %dma_start3A_1061 = arith.constant 0 : i32
        %dma_start3A_1062 = tpu.memref_slice %arg32[%dma_start3A_1061] : memref<50048xf32, #tpu.memory_space<vmem_shared>> -> memref<50048xf32, #tpu.memory_space<vmem_shared>>
        tpu.enqueue_indirect_dma source(%arg24 : memref<128xf32, #tpu.memory_space<vmem>>) target(%dma_start3A_1062 : memref<50048xf32, #tpu.memory_space<vmem_shared>>) offsets(%dma_start3A_1060 : memref<128xi32, #tpu.memory_space<vmem>>) semaphore(%run_scoped3A : memref<!tpu.dma_semaphore, #tpu.memory_space<semaphore_mem>>) {add = true}
        %dma_wait3A = arith.constant 0 : i32
        %dma_wait3A_1063 = tpu.memref_slice %arg13[%scan3A_26, %dma_wait3A] : memref<80x128xi32, #tpu.memory_space<vmem>> -> memref<1x128xi32, #tpu.memory_space<vmem>>
        %dma_wait3A_1064 = tpu.memref_squeeze %dma_wait3A_1063 : memref<1x128xi32, #tpu.memory_space<vmem>> -> memref<128xi32, #tpu.memory_space<vmem>>
        %dma_wait3A_1065 = arith.constant 0 : i32
        %dma_wait3A_1066 = tpu.memref_slice %arg32[%dma_wait3A_1065] : memref<50048xf32, #tpu.memory_space<vmem_shared>> -> memref<50048xf32, #tpu.memory_space<vmem_shared>>
        tpu.wait_indirect_dma semaphore(%run_scoped3A : memref<!tpu.dma_semaphore, #tpu.memory_space<semaphore_mem>>) src(%arg24 : memref<128xf32, #tpu.memory_space<vmem>>) dst(%dma_wait3A_1066 : memref<50048xf32, #tpu.memory_space<vmem_shared>>)
        tpu.yield
      }) : () -> ()
      "tpu.region"() ({
        %run_scoped3A = tpu.sem_alloc : memref<!tpu.dma_semaphore, #tpu.memory_space<semaphore_mem>>
        %dma_start3A = arith.constant 0 : i32
        %dma_start3A_1059 = tpu.memref_slice %arg14[%scan3A_26, %dma_start3A] : memref<80x128xi32, #tpu.memory_space<vmem>> -> memref<1x128xi32, #tpu.memory_space<vmem>>
        %dma_start3A_1060 = tpu.memref_squeeze %dma_start3A_1059 : memref<1x128xi32, #tpu.memory_space<vmem>> -> memref<128xi32, #tpu.memory_space<vmem>>
        %dma_start3A_1061 = arith.constant 0 : i32
        %dma_start3A_1062 = tpu.memref_slice %arg30[%dma_start3A_1061] : memref<50048xf32, #tpu.memory_space<vmem_shared>> -> memref<50048xf32, #tpu.memory_space<vmem_shared>>
        tpu.enqueue_indirect_dma source(%arg25 : memref<128xf32, #tpu.memory_space<vmem>>) target(%dma_start3A_1062 : memref<50048xf32, #tpu.memory_space<vmem_shared>>) offsets(%dma_start3A_1060 : memref<128xi32, #tpu.memory_space<vmem>>) semaphore(%run_scoped3A : memref<!tpu.dma_semaphore, #tpu.memory_space<semaphore_mem>>) {add = true}
        %dma_wait3A = arith.constant 0 : i32
        %dma_wait3A_1063 = tpu.memref_slice %arg14[%scan3A_26, %dma_wait3A] : memref<80x128xi32, #tpu.memory_space<vmem>> -> memref<1x128xi32, #tpu.memory_space<vmem>>
        %dma_wait3A_1064 = tpu.memref_squeeze %dma_wait3A_1063 : memref<1x128xi32, #tpu.memory_space<vmem>> -> memref<128xi32, #tpu.memory_space<vmem>>
        %dma_wait3A_1065 = arith.constant 0 : i32
        %dma_wait3A_1066 = tpu.memref_slice %arg30[%dma_wait3A_1065] : memref<50048xf32, #tpu.memory_space<vmem_shared>> -> memref<50048xf32, #tpu.memory_space<vmem_shared>>
        tpu.wait_indirect_dma semaphore(%run_scoped3A : memref<!tpu.dma_semaphore, #tpu.memory_space<semaphore_mem>>) src(%arg25 : memref<128xf32, #tpu.memory_space<vmem>>) dst(%dma_wait3A_1066 : memref<50048xf32, #tpu.memory_space<vmem_shared>>)
        tpu.yield
      }) : () -> ()
      "tpu.region"() ({
        %run_scoped3A = tpu.sem_alloc : memref<!tpu.dma_semaphore, #tpu.memory_space<semaphore_mem>>
        %dma_start3A = arith.constant 0 : i32
        %dma_start3A_1059 = tpu.memref_slice %arg14[%scan3A_26, %dma_start3A] : memref<80x128xi32, #tpu.memory_space<vmem>> -> memref<1x128xi32, #tpu.memory_space<vmem>>
        %dma_start3A_1060 = tpu.memref_squeeze %dma_start3A_1059 : memref<1x128xi32, #tpu.memory_space<vmem>> -> memref<128xi32, #tpu.memory_space<vmem>>
        %dma_start3A_1061 = arith.constant 0 : i32
        %dma_start3A_1062 = tpu.memref_slice %arg31[%dma_start3A_1061] : memref<50048xf32, #tpu.memory_space<vmem_shared>> -> memref<50048xf32, #tpu.memory_space<vmem_shared>>
        tpu.enqueue_indirect_dma source(%arg26 : memref<128xf32, #tpu.memory_space<vmem>>) target(%dma_start3A_1062 : memref<50048xf32, #tpu.memory_space<vmem_shared>>) offsets(%dma_start3A_1060 : memref<128xi32, #tpu.memory_space<vmem>>) semaphore(%run_scoped3A : memref<!tpu.dma_semaphore, #tpu.memory_space<semaphore_mem>>) {add = true}
        %dma_wait3A = arith.constant 0 : i32
        %dma_wait3A_1063 = tpu.memref_slice %arg14[%scan3A_26, %dma_wait3A] : memref<80x128xi32, #tpu.memory_space<vmem>> -> memref<1x128xi32, #tpu.memory_space<vmem>>
        %dma_wait3A_1064 = tpu.memref_squeeze %dma_wait3A_1063 : memref<1x128xi32, #tpu.memory_space<vmem>> -> memref<128xi32, #tpu.memory_space<vmem>>
        %dma_wait3A_1065 = arith.constant 0 : i32
        %dma_wait3A_1066 = tpu.memref_slice %arg31[%dma_wait3A_1065] : memref<50048xf32, #tpu.memory_space<vmem_shared>> -> memref<50048xf32, #tpu.memory_space<vmem_shared>>
        tpu.wait_indirect_dma semaphore(%run_scoped3A : memref<!tpu.dma_semaphore, #tpu.memory_space<semaphore_mem>>) src(%arg26 : memref<128xf32, #tpu.memory_space<vmem>>) dst(%dma_wait3A_1066 : memref<50048xf32, #tpu.memory_space<vmem_shared>>)
        tpu.yield
      }) : () -> ()
      "tpu.region"() ({
        %run_scoped3A = tpu.sem_alloc : memref<!tpu.dma_semaphore, #tpu.memory_space<semaphore_mem>>
        %dma_start3A = arith.constant 0 : i32
        %dma_start3A_1059 = tpu.memref_slice %arg14[%scan3A_26, %dma_start3A] : memref<80x128xi32, #tpu.memory_space<vmem>> -> memref<1x128xi32, #tpu.memory_space<vmem>>
        %dma_start3A_1060 = tpu.memref_squeeze %dma_start3A_1059 : memref<1x128xi32, #tpu.memory_space<vmem>> -> memref<128xi32, #tpu.memory_space<vmem>>
        %dma_start3A_1061 = arith.constant 0 : i32
        %dma_start3A_1062 = tpu.memref_slice %arg32[%dma_start3A_1061] : memref<50048xf32, #tpu.memory_space<vmem_shared>> -> memref<50048xf32, #tpu.memory_space<vmem_shared>>
        tpu.enqueue_indirect_dma source(%arg27 : memref<128xf32, #tpu.memory_space<vmem>>) target(%dma_start3A_1062 : memref<50048xf32, #tpu.memory_space<vmem_shared>>) offsets(%dma_start3A_1060 : memref<128xi32, #tpu.memory_space<vmem>>) semaphore(%run_scoped3A : memref<!tpu.dma_semaphore, #tpu.memory_space<semaphore_mem>>) {add = true}
        %dma_wait3A = arith.constant 0 : i32
        %dma_wait3A_1063 = tpu.memref_slice %arg14[%scan3A_26, %dma_wait3A] : memref<80x128xi32, #tpu.memory_space<vmem>> -> memref<1x128xi32, #tpu.memory_space<vmem>>
        %dma_wait3A_1064 = tpu.memref_squeeze %dma_wait3A_1063 : memref<1x128xi32, #tpu.memory_space<vmem>> -> memref<128xi32, #tpu.memory_space<vmem>>
        %dma_wait3A_1065 = arith.constant 0 : i32
        %dma_wait3A_1066 = tpu.memref_slice %arg32[%dma_wait3A_1065] : memref<50048xf32, #tpu.memory_space<vmem_shared>> -> memref<50048xf32, #tpu.memory_space<vmem_shared>>
        tpu.wait_indirect_dma semaphore(%run_scoped3A : memref<!tpu.dma_semaphore, #tpu.memory_space<semaphore_mem>>) src(%arg27 : memref<128xf32, #tpu.memory_space<vmem>>) dst(%dma_wait3A_1066 : memref<50048xf32, #tpu.memory_space<vmem_shared>>)
        tpu.yield
      }) : () -> ()
    }
    %scan3A_17 = arith.constant 80 : i32
    %barrier3A_18 = arith.constant 0 : index
    tpu.barrier barrier_id(%barrier3A_18)
    %mul3A_19 = arith.constant 50048 : i32
    %mul3A_20 = arith.muli %arg0, %mul3A_19 : i32
    %mul3A_21 = arith.constant 3128 : i32
    %mul3A_22 = arith.muli %arg1, %mul3A_21 : i32
    %add3A_23 = arith.addi %mul3A_20, %mul3A_22 : i32
    "tpu.region"() ({
      %run_scoped3A = tpu.sem_alloc : memref<!tpu.dma_semaphore, #tpu.memory_space<semaphore_mem>>
      %dma_start3A = tpu.memref_slice %arg30[%mul3A_4] : memref<50048xf32, #tpu.memory_space<vmem_shared>> -> memref<3128xf32, #tpu.memory_space<vmem_shared>>
      %dma_start3A_26 = tpu.memref_slice %arg30[%mul3A_4] : memref<50048xf32, #tpu.memory_space<vmem_shared>> -> memref<3128xf32, #tpu.memory_space<vmem_shared>>
      tpu.enqueue_dma source(%dma_start3A_26 : memref<3128xf32, #tpu.memory_space<vmem_shared>>) target(%arg29 : memref<3128xf32, #tpu.memory_space<vmem>>) target_semaphore(%run_scoped3A : memref<!tpu.dma_semaphore, #tpu.memory_space<semaphore_mem>>)
      %dma_wait3A = tpu.memref_slice %arg30[%mul3A_4] : memref<50048xf32, #tpu.memory_space<vmem_shared>> -> memref<3128xf32, #tpu.memory_space<vmem_shared>>
      %dma_wait3A_27 = tpu.memref_slice %arg30[%mul3A_4] : memref<50048xf32, #tpu.memory_space<vmem_shared>> -> memref<3128xf32, #tpu.memory_space<vmem_shared>>
      tpu.wait_dma2 semaphore(%run_scoped3A : memref<!tpu.dma_semaphore, #tpu.memory_space<semaphore_mem>>) src(%dma_wait3A_27 : memref<3128xf32, #tpu.memory_space<vmem_shared>>) dst(%arg29 : memref<3128xf32, #tpu.memory_space<vmem>>)
      tpu.yield
    }) : () -> ()
    "tpu.region"() ({
      %run_scoped3A = tpu.sem_alloc : memref<!tpu.dma_semaphore, #tpu.memory_space<semaphore_mem>>
      %dma_start3A = tpu.memref_slice %arg10[%add3A_23] : memref<100096xf32, #tpu.memory_space<hbm>> -> memref<3128xf32, #tpu.memory_space<hbm>>
      %dma_start3A_26 = tpu.memref_slice %arg10[%add3A_23] : memref<100096xf32, #tpu.memory_space<hbm>> -> memref<3128xf32, #tpu.memory_space<hbm>>
      tpu.enqueue_dma source(%arg29 : memref<3128xf32, #tpu.memory_space<vmem>>) target(%dma_start3A_26 : memref<3128xf32, #tpu.memory_space<hbm>>) target_semaphore(%run_scoped3A : memref<!tpu.dma_semaphore, #tpu.memory_space<semaphore_mem>>)
      %dma_wait3A = tpu.memref_slice %arg10[%add3A_23] : memref<100096xf32, #tpu.memory_space<hbm>> -> memref<3128xf32, #tpu.memory_space<hbm>>
      %dma_wait3A_27 = tpu.memref_slice %arg10[%add3A_23] : memref<100096xf32, #tpu.memory_space<hbm>> -> memref<3128xf32, #tpu.memory_space<hbm>>
      tpu.wait_dma2 semaphore(%run_scoped3A : memref<!tpu.dma_semaphore, #tpu.memory_space<semaphore_mem>>) src(%arg29 : memref<3128xf32, #tpu.memory_space<vmem>>) dst(%dma_wait3A_27 : memref<3128xf32, #tpu.memory_space<hbm>>)
      tpu.yield
    }) : () -> ()
    "tpu.region"() ({
      %run_scoped3A = tpu.sem_alloc : memref<!tpu.dma_semaphore, #tpu.memory_space<semaphore_mem>>
      %dma_start3A = tpu.memref_slice %arg31[%mul3A_4] : memref<50048xf32, #tpu.memory_space<vmem_shared>> -> memref<3128xf32, #tpu.memory_space<vmem_shared>>
      %dma_start3A_26 = tpu.memref_slice %arg31[%mul3A_4] : memref<50048xf32, #tpu.memory_space<vmem_shared>> -> memref<3128xf32, #tpu.memory_space<vmem_shared>>
      tpu.enqueue_dma source(%dma_start3A_26 : memref<3128xf32, #tpu.memory_space<vmem_shared>>) target(%arg29 : memref<3128xf32, #tpu.memory_space<vmem>>) target_semaphore(%run_scoped3A : memref<!tpu.dma_semaphore, #tpu.memory_space<semaphore_mem>>)
      %dma_wait3A = tpu.memref_slice %arg31[%mul3A_4] : memref<50048xf32, #tpu.memory_space<vmem_shared>> -> memref<3128xf32, #tpu.memory_space<vmem_shared>>
      %dma_wait3A_27 = tpu.memref_slice %arg31[%mul3A_4] : memref<50048xf32, #tpu.memory_space<vmem_shared>> -> memref<3128xf32, #tpu.memory_space<vmem_shared>>
      tpu.wait_dma2 semaphore(%run_scoped3A : memref<!tpu.dma_semaphore, #tpu.memory_space<semaphore_mem>>) src(%dma_wait3A_27 : memref<3128xf32, #tpu.memory_space<vmem_shared>>) dst(%arg29 : memref<3128xf32, #tpu.memory_space<vmem>>)
      tpu.yield
    }) : () -> ()
    "tpu.region"() ({
      %run_scoped3A = tpu.sem_alloc : memref<!tpu.dma_semaphore, #tpu.memory_space<semaphore_mem>>
      %dma_start3A = tpu.memref_slice %arg11[%add3A_23] : memref<100096xf32, #tpu.memory_space<hbm>> -> memref<3128xf32, #tpu.memory_space<hbm>>
      %dma_start3A_26 = tpu.memref_slice %arg11[%add3A_23] : memref<100096xf32, #tpu.memory_space<hbm>> -> memref<3128xf32, #tpu.memory_space<hbm>>
      tpu.enqueue_dma source(%arg29 : memref<3128xf32, #tpu.memory_space<vmem>>) target(%dma_start3A_26 : memref<3128xf32, #tpu.memory_space<hbm>>) target_semaphore(%run_scoped3A : memref<!tpu.dma_semaphore, #tpu.memory_space<semaphore_mem>>)
      %dma_wait3A = tpu.memref_slice %arg11[%add3A_23] : memref<100096xf32, #tpu.memory_space<hbm>> -> memref<3128xf32, #tpu.memory_space<hbm>>
      %dma_wait3A_27 = tpu.memref_slice %arg11[%add3A_23] : memref<100096xf32, #tpu.memory_space<hbm>> -> memref<3128xf32, #tpu.memory_space<hbm>>
      tpu.wait_dma2 semaphore(%run_scoped3A : memref<!tpu.dma_semaphore, #tpu.memory_space<semaphore_mem>>) src(%arg29 : memref<3128xf32, #tpu.memory_space<vmem>>) dst(%dma_wait3A_27 : memref<3128xf32, #tpu.memory_space<hbm>>)
      tpu.yield
    }) : () -> ()
    "tpu.region"() ({
      %run_scoped3A = tpu.sem_alloc : memref<!tpu.dma_semaphore, #tpu.memory_space<semaphore_mem>>
      %dma_start3A = tpu.memref_slice %arg32[%mul3A_4] : memref<50048xf32, #tpu.memory_space<vmem_shared>> -> memref<3128xf32, #tpu.memory_space<vmem_shared>>
      %dma_start3A_26 = tpu.memref_slice %arg32[%mul3A_4] : memref<50048xf32, #tpu.memory_space<vmem_shared>> -> memref<3128xf32, #tpu.memory_space<vmem_shared>>
      tpu.enqueue_dma source(%dma_start3A_26 : memref<3128xf32, #tpu.memory_space<vmem_shared>>) target(%arg29 : memref<3128xf32, #tpu.memory_space<vmem>>) target_semaphore(%run_scoped3A : memref<!tpu.dma_semaphore, #tpu.memory_space<semaphore_mem>>)
      %dma_wait3A = tpu.memref_slice %arg32[%mul3A_4] : memref<50048xf32, #tpu.memory_space<vmem_shared>> -> memref<3128xf32, #tpu.memory_space<vmem_shared>>
      %dma_wait3A_27 = tpu.memref_slice %arg32[%mul3A_4] : memref<50048xf32, #tpu.memory_space<vmem_shared>> -> memref<3128xf32, #tpu.memory_space<vmem_shared>>
      tpu.wait_dma2 semaphore(%run_scoped3A : memref<!tpu.dma_semaphore, #tpu.memory_space<semaphore_mem>>) src(%dma_wait3A_27 : memref<3128xf32, #tpu.memory_space<vmem_shared>>) dst(%arg29 : memref<3128xf32, #tpu.memory_space<vmem>>)
      tpu.yield
    }) : () -> ()
    "tpu.region"() ({
      %run_scoped3A = tpu.sem_alloc : memref<!tpu.dma_semaphore, #tpu.memory_space<semaphore_mem>>
      %dma_start3A = tpu.memref_slice %arg12[%add3A_23] : memref<100096xf32, #tpu.memory_space<hbm>> -> memref<3128xf32, #tpu.memory_space<hbm>>
      %dma_start3A_26 = tpu.memref_slice %arg12[%add3A_23] : memref<100096xf32, #tpu.memory_space<hbm>> -> memref<3128xf32, #tpu.memory_space<hbm>>
      tpu.enqueue_dma source(%arg29 : memref<3128xf32, #tpu.memory_space<vmem>>) target(%dma_start3A_26 : memref<3128xf32, #tpu.memory_space<hbm>>) target_semaphore(%run_scoped3A : memref<!tpu.dma_semaphore, #tpu.memory_space<semaphore_mem>>)
      %dma_wait3A = tpu.memref_slice %arg12[%add3A_23] : memref<100096xf32, #tpu.memory_space<hbm>> -> memref<3128xf32, #tpu.memory_space<hbm>>
      %dma_wait3A_27 = tpu.memref_slice %arg12[%add3A_23] : memref<100096xf32, #tpu.memory_space<hbm>> -> memref<3128xf32, #tpu.memory_space<hbm>>
      tpu.wait_dma2 semaphore(%run_scoped3A : memref<!tpu.dma_semaphore, #tpu.memory_space<semaphore_mem>>) src(%arg29 : memref<3128xf32, #tpu.memory_space<vmem>>) dst(%dma_wait3A_27 : memref<3128xf32, #tpu.memory_space<hbm>>)
      tpu.yield
    }) : () -> ()
    %mul3A_24 = arith.constant 16 : i32
    %mul3A_25 = arith.muli %add3A, %mul3A_24 : i32
    "tpu.region"() ({
      %run_scoped3A = tpu.sem_alloc : memref<!tpu.dma_semaphore, #tpu.memory_space<semaphore_mem>>
      %dma_start3A = tpu.memref_slice %arg9[%mul3A_25] : memref<512xf32, #tpu.memory_space<hbm>> -> memref<16xf32, #tpu.memory_space<hbm>>
      %dma_start3A_26 = tpu.memref_slice %arg9[%mul3A_25] : memref<512xf32, #tpu.memory_space<hbm>> -> memref<16xf32, #tpu.memory_space<hbm>>
      tpu.enqueue_dma source(%arg28 : memref<16xf32, #tpu.memory_space<vmem>>) target(%dma_start3A_26 : memref<16xf32, #tpu.memory_space<hbm>>) target_semaphore(%run_scoped3A : memref<!tpu.dma_semaphore, #tpu.memory_space<semaphore_mem>>)
      %dma_wait3A = tpu.memref_slice %arg9[%mul3A_25] : memref<512xf32, #tpu.memory_space<hbm>> -> memref<16xf32, #tpu.memory_space<hbm>>
      %dma_wait3A_27 = tpu.memref_slice %arg9[%mul3A_25] : memref<512xf32, #tpu.memory_space<hbm>> -> memref<16xf32, #tpu.memory_space<hbm>>
      tpu.wait_dma2 semaphore(%run_scoped3A : memref<!tpu.dma_semaphore, #tpu.memory_space<semaphore_mem>>) src(%arg28 : memref<16xf32, #tpu.memory_space<vmem>>) dst(%dma_wait3A_27 : memref<16xf32, #tpu.memory_space<hbm>>)
      tpu.yield
    }) : () -> ()
    return
  }
}

</mosaic_0001>

<sc_bundles>
// kernel: kernel.3.cloned.1.call-start
scs
__scs_entry_jumppad:
0x0: {  	(pc) =	sbr.rel $0x88, $3  }
0x1: {  	(tag) =	ssettag $0x0;
	lr =	simm.s32 $0x1  }
0x2: {  	[smem:$0x3F9E] =	sst lr;
	_ =	strace $0xD0000000  }
0x3: {  	_ = 	snop  }
0x4: {  	_ = 	snop  }
0x5: {  	_ = 	snop  }
0x6: {  	_ = 	snop  }
0x7: {  	_ = 	snop  }
__scs_overlays_trampoline_lowered:
0x8: {  	[smem:$0x3FAD] =	sst s0  }
0x9: {  	[smem:$0x3FAE] =	sst s1  }
0xa: {  	[smem:$0x3FAF] =	sst s2  }
0xb: {  	[smem:$0x3FB0] =	sst s3  }
0xc: {  	[smem:$0x3FB1] =	sst s4  }
0xd: {  	[smem:$0x3FB2] =	sst s5  }
0xe: {  	[smem:$0x3FB3] =	sst s6  }
0xf: {  	[smem:$0x3FB4] =	sst s7  }
0x10: {  	[smem:$0x3FB5] =	sst s8  }
0x11: {  	[smem:$0x3FB6] =	sst s9;
	s0 =	simm.s32 @!p0 $0x0  }
0x12: {  	s1 =	sld [smem:$0x3F9C];
	s0 =	simm.s32 @p0 $0x1  }
0x13: {  	[smem:$0x3FB7] =	sst s0;
	s0 =	simm.s32 @!p1 $0x0  }
0x14: {  	s2 =	sld [smem:$0x3F9B];
	s0 =	simm.s32 @p1 $0x1  }
0x15: {  	[smem:$0x3FB8] =	sst s0;
	s0 =	simm.s32 @!p2 $0x0  }
0x16: {  	s3 =	sld [smem:$0x3FDB];
	s0 =	simm.s32 @p2 $0x1  }
0x17: {  	s4 =	simm.s32 $0x1BF5;
	[smem:$0x3FBA] =	sst s0  }
0x18: {  	s0 =	sld [smem:$0x3F9D];
	_ =	swait.ge [sflag:s4], $0x0  }
0x19: {  	s7 =	sld [smem:$0x3F9E]  }
0x1a: {  	s8 =	sadd.s32 $0xFFFFE003, lr  }
0x1b: {  	s9 =	sadd.s32 $0xFFFFFEF7, lr;
	s5 =	simm.s32 $0xFFFFFFFF;
	p2 =	slt.u32 s8, $0xFFFFF086  }
0x1c: {  	p1 =	slt.u32 s9, $0xF7A;
	s5 =	simm.s32 @!p2 $0x0  }
0x1d: {  	s5 =	simm.s32 @p1 $0x1;
	p0 =	seq.s32 s7, s2  }
0x1e: {  	s7 =	smul.u32 @!p0 $0xF7A, s2;
	p2 =	seq.s32 @!p0 s5, $0x0  }
0x1f: {  	s9 =	smul.u32 $0xF7A, s1;
	s8 =	simm.s32 @!p0 $0x1BF5;
	p2 =	por !p2, p0  }
0x20: {  	[sflag:s8] =	ssyncset.s32 @!p0 $0xFFFFF086;
	s6 =	sadd.s32 @!p0 s3, s7;
	s7 =	simm.s32 @!p0 $0x108  }
0x21: {  	s3 =	sadd.s32 s3, s9;
	s6 =	sadd.s32 @!p0 $0x88, s6;
	s7 =	simm.s32 @p2 $0x1082  }
0x22: {  	[simem:s7], [sflag:s8] =	dma.local @!p0 [hbm:s6], $0xF7A  }
0x23: {  	s9 =	sor.u32 $0xD0000000, s2;
	s6 =	simm.s32 $0x108;
	_ =	swait.ge @!p0 [sflag:s8], $0x0  }
0x24: {  	s3 =	sadd.s32 $0x88, s3;
	s6 =	simm.s32 @!p1 $0x1082;
	[sflag:s4] =	ssyncset.s32 $0xFFFFF086  }
0x25: {  	[simem:s6], [sflag:s4] =	dma.local [hbm:s3], $0xF7A  }
0x26: {  	[smem:$0x3F9E] =	sst s1;
	(tag) =	ssettag s2;
	_ =	strace s9  }
0x27: {  	s1 =	sld [smem:$0x3FAE]  }
0x28: {  	s2 =	sld [smem:$0x3FAF]  }
0x29: {  	s4 =	sld [smem:$0x3FB1]  }
0x2a: {  	p0 =	seq.s32 s5, $0x0;
	s5 =	sld [smem:$0x3FB2]  }
0x2b: {  	s6 =	sld [smem:$0x3FB3]  }
0x2c: {  	s7 =	sld [smem:$0x3FB4]  }
0x2d: {  	s3 =	simm.s32 $0x108;
	s8 =	sld [smem:$0x3FB5]  }
0x2e: {  	s3 =	simm.s32 @!p0 $0x1082;
	s9 =	sld [smem:$0x3FB6]  }
0x2f: {  	lr =	sadd.s32 s0, s3;
	s0 =	sld [smem:$0x3FAD]  }
0x30: {  	s3 =	sld [smem:$0x3FB0]  }
0x31: {  	[smem:$0x3FB9] =	sst s10  }
0x32: {  	s10 =	sld [smem:$0x3FB7];
	_ =	sdelay $0x3  }
0x33: {  	p0 =	seq.s32 s10, $0x1;
	s10 =	sld [smem:$0x3FB9];
	_ =	sdelay $0x3  }
0x34: {  	[smem:$0x3FB9] =	sst s10  }
0x35: {  	s10 =	sld [smem:$0x3FB8];
	_ =	sdelay $0x3  }
0x36: {  	p1 =	seq.s32 s10, $0x1;
	s10 =	sld [smem:$0x3FB9];
	_ =	sdelay $0x3  }
0x37: {  	[smem:$0x3FB9] =	sst s10  }
0x38: {  	s10 =	sld [smem:$0x3FBA]  }
0x39: {  	_ = 	snop;
	(pc) =	sbr.ind lr, $3  }
0x3a: {  	_ = 	snop  }
0x3b: {  	_ = 	snop  }
0x3c: {  	p2 =	seq.s32 s10, $0x1;
	s10 =	sld [smem:$0x3FB9]  }
0x3d: {  	_ =	shalt  }
0x3e: {  	_ =	shalt  }
0x3f: {  	_ =	shalt  }
0x40: {  	_ =	shalt  }
0x41: {  	_ =	shalt  }
0x42: {  	_ =	shalt  }
0x43: {  	_ =	shalt  }
0x44: {  	_ =	shalt  }
0x45: {  	_ =	shalt  }
0x46: {  	_ =	shalt  }
0x47: {  	_ =	shalt  }
0x48: {  	_ =	shalt  }
0x49: {  	_ =	shalt  }
0x4a: {  	_ =	shalt  }
0x4b: {  	_ =	shalt  }
0x4c: {  	_ =	shalt  }
0x4d: {  	_ =	shalt  }
0x4e: {  	_ =	shalt  }
0x4f: {  	_ =	shalt  }
0x50: {  	_ =	shalt  }
0x51: {  	_ =	shalt  }
0x52: {  	_ =	shalt  }
0x53: {  	_ =	shalt  }
0x54: {  	_ =	shalt  }
0x55: {  	_ =	shalt  }
0x56: {  	_ =	shalt  }
0x57: {  	_ =	shalt  }
0x58: {  	_ =	shalt  }
0x59: {  	_ =	shalt  }
0x5a: {  	_ =	shalt  }
0x5b: {  	_ =	shalt  }
0x5c: {  	_ =	shalt  }
0x5d: {  	_ =	shalt  }
0x5e: {  	_ =	shalt  }
0x5f: {  	_ =	shalt  }
0x60: {  	_ =	shalt  }
0x61: {  	_ =	shalt  }
0x62: {  	_ =	shalt  }
0x63: {  	_ =	shalt  }
0x64: {  	_ =	shalt  }
0x65: {  	_ =	shalt  }
0x66: {  	_ =	shalt  }
0x67: {  	_ =	shalt  }
0x68: {  	_ =	shalt  }
0x69: {  	_ =	shalt  }
0x6a: {  	_ =	shalt  }
0x6b: {  	_ =	shalt  }
0x6c: {  	_ =	shalt  }
0x6d: {  	_ =	shalt  }
0x6e: {  	_ =	shalt  }
0x6f: {  	_ =	shalt  }
0x70: {  	_ =	shalt  }
0x71: {  	_ =	shalt  }
0x72: {  	_ =	shalt  }
0x73: {  	_ =	shalt  }
0x74: {  	_ =	shalt  }
0x75: {  	_ =	shalt  }
0x76: {  	_ =	shalt  }
0x77: {  	_ =	shalt  }
0x78: {  	_ =	shalt  }
0x79: {  	_ =	shalt  }
0x7a: {  	_ =	shalt  }
0x7b: {  	_ =	shalt  }
0x7c: {  	_ =	shalt  }
0x7d: {  	_ =	shalt  }
0x7e: {  	_ =	shalt  }
0x7f: {  	_ =	shalt  }
0x80: {  	_ =	shalt  }
0x81: {  	_ =	shalt  }
0x82: {  	_ =	shalt  }
0x83: {  	_ =	shalt  }
0x84: {  	_ =	shalt  }
0x85: {  	_ =	shalt  }
0x86: {  	_ =	shalt  }
0x87: {  	_ =	shalt  }
.Lfunc_end0:
.L_simem_size_0:
called_computation_lowered:
.L_overlay_start_0:
0x88: {  	s2 =	sld [smem:$0x3FD9]  }
0x89: {  	s3 =	sld [smem:$0x3FFE];
	_ =	sdelay $0x1  }
0x8a: {  	s1 =	srdreg.scid  }
0x8b: {  	s0 =	sand.u32 $0x1, s1  }
0x8c: {  	s14 =	sshll.u32 s0, $0xA;
	s2 =	sadd.s32 s3, s2  }
0x8d: {  	s2 =	sadd.s32 s2, s14  }
0x8e: {  	[smem:$0x3FC5] =	sst s2  }
0x8f: {  	_ = 	snop  }
0x90: {  	s2 =	sld [smem:$0x3FD0];
	_ =	sdelay $0x2  }
0x91: {  	s15 =	simm.s32 $0xA;
	s4 =	simm.s32 $0x10  }
0x92: {  	[smem:s4], [sflag:s15] =	dma.local [hbm:s2], $0x1  }
0x93: {  	_ =	swait.eq [sflag:s15], $0x1  }
0x94: {  	[sflag:s15] =	ssyncset.done $0x0  }
0x95: {  	[sflag:s15] =	ssyncadd.s32 $0xFFFFFFFF  }
0x96: {  	s16 =	sld [smem:$0x11];
	(tm) =	ssettm $0x1  }
0x97: {  	s17 =	sld [smem:$0x3FFB];
	_ =	sdelay $0x3  }
0x98: {  	_ =	strace s17  }
0x99: {  	s3 =	sld [smem:$0x3FFC];
	_ =	sdelay $0x3  }
0x9a: {  	_ =	strace s3  }
0x9b: {  	s3 =	sld [smem:$0x3FFD];
	_ =	sdelay $0x3  }
0x9c: {  	_ =	strace s3  }
0x9d: {  	_ =	strace $0x8FFFFFFF  }
0x9e: {  	s18 =	sld [smem:$0x3FDB];
	_ =	sdelay $0x1  }
0x9f: {  	s19 =	simm.s32 $_scs_section_size  }
0xa0: {  	s5 =	simm.s32 $_size__tile_overlayer_lowered;
	s6 =	simm.s32 $_tile_overlayer_lowered  }
0xa1: {  	s22 =	simm.s32 $0x1BFF;
	s21 =	sshll.u32 s6, $0x1;
	s3 =	sadd.s32 s19, s18  }
0xa2: {  	s7 =	simm.s32 $0x0;
	s20 =	sshll.u32 s5, $0x1;
	s5 =	sadd.s32 s21, s3  }
0xa3: {  	[timem:s7], [sflag:s22] =	dma.local [hbm:s5], s20  }
0xa4: {  	_ =	swait.ge [sflag:s22], s20  }
0xa5: {  	s4 =	ssub.s32 $0x0, s20;
	[sflag:s22] =	ssyncset.done $0x0  }
0xa6: {  	[sflag:s22] =	ssyncadd.s32 s4;
	_ =	sdelay $0x1  }
0xa7: {  	s23 =	simm.s32 $0x1B8B  }
0xa8: {  	_ =	swait.ge [sflag:s23], $0x1  }
0xa9: {  	[sflag:s23] =	ssyncset.done $0x0  }
0xaa: {  	s25 =	simm.s32 $0x1B8E;
	s24 =	sld [smem:$0x3FFE];
	[sflag:s23] =	ssyncadd.s32 $0xFFFFFFFF  }
0xab: {  	s26 =	simm.s32 $execute0_lowered;
	[smem:$0x3FD2] =	sst s25  }
0xac: {  	s5 =	sshll.u32 s26, $0x1;
	_ =	strace $0x80000046;
	[dreg:$0x1] =	wrdreg $0xFFFFFFFF  }
0xad: {  	s28 =	simm.s32 $_size_execute0_lowered;
	s3 =	sadd.s32 s3, s5;
	[dreg:$0x0] =	wrdreg $0x0  }
0xae: {  	s5 =	sshll.u32 s28, $0x1;
	[dreg:$0x2] =	wrdreg s3  }
0xaf: {  	[dreg:$0x3] =	wrdreg s5  }
0xb0: {  	[dreg:$0x4] =	wrdreg $0xC0  }
0xb1: {  	_ =	task [dreg:s7], $0x5FFFF  }
0xb2: {  	[dreg:$0x1] =	wrdreg $0xFFFFFFFF  }
0xb3: {  	[dreg:$0x0] =	wrdreg $0x60  }
0xb4: {  	[dreg:$0x2] =	wrdreg s24  }
0xb5: {  	[dreg:$0x3] =	wrdreg s16  }
0xb6: {  	[dreg:$0x4] =	wrdreg $0x8B000  }
0xb7: {  	[dreg:$0x5] =	wrdreg $0x97380  }
0xb8: {  	[dreg:$0x6] =	wrdreg $0xA3700  }
0xb9: {  	[dreg:$0x7] =	wrdreg $0x9  }
0xba: {  	_ =	task.clear_ibuf [dreg:s7], $0x8FFFF;
	_ =	strace $0x90000046  }
0xbb: {  	s29 =	simm.s32 $0x9;
	_ =	strace $0x80000048  }
0xbc: {  	_ =	swait.ge [sflag:s29], $0x1  }
0xbd: {  	[sflag:s29] =	ssyncadd.s32 $0xFFFFFFFF  }
0xbe: {  	_ =	strace $0x90000048  }
0xbf: {  	_ =	sfence  }
0xc0: {  	s30 =	sld [smem:$0x0];
	_ =	sdelay $0x2  }
0xc1: {  	s31 =	sshll.u32 s1, $0xD;
	s1 =	sshrl.u32 s1, $0x2  }
0xc2: {  	s3 =	sand.u32 $0x4000, s31;
	s1 =	sadd.s32 s1, s30  }
0xc3: {  	s0 =	sor.u32 s3, s0;
	s1 =	sshll.u32 s1, $0x11  }
0xc4: {  	s0 =	sor.u32 s1, s0  }
0xc5: {  	s0 =	sadd.s32 $0x8F2B, s0  }
0xc6: {  	[sflag:s0] =	ssyncadd.remote.s32 $0x1  }
0xc7: {  	_ =	sfence.sel $0xFFFF  }
0xc8: {  	[dreg:$0x0] =	wrdreg $0xFFFFFFFF;
	(pc) =	sbr.abs _section_cstart, $3  }
0xc9: {  	[dreg:$0x1] =	wrdreg $0xFFFFFFFF  }
0xca: {  	_ =	task.clear_ibuf [dreg:s7], $0x2FFFF;
	_ =	strace $0x9FFFFFFF  }
0xcb: {  	(tm) =	ssettm $0x7FFFFFFF  }
tec
execute0_lowered:
.L_overlay_start_1:
0x0: {  	(tag) =	ssettag $0x1  }
0x1: {  	s0 =	rddreg [dreg:$0x0]  }
0x2: {  	s1 =	rddreg [dreg:$0x1]  }
0x3: {  	s2 =	rddreg [dreg:$0x2]  }
0x4: {  	s3 =	srdreg.scid;
	s4 =	rddreg [dreg:$0x3]  }
0x5: {  	s15 =	stileid.u32;
	s5 =	rddreg [dreg:$0x4]  }
0x6: {  	s24 =	simm.s32 $0x7800;
	s25 =	simm.s32 $0x7880;
	s26 =	simm.s32 $0x7900  }
0x7: {  	s28 =	simm.s32 $0x7A80;
	s29 =	simm.s32 $0x7B00;
	s30 =	simm.s32 $0x7B80  }
0x8: {  	s31 =	simm.s32 $0x7C00;
	s3 =	sand.u32 $0x1, s3;
	s10 =	smul.u32 $0xC38, s15  }
0x9: {  	s8 =	sadd.s32 $0x1A00, s0;
	s13 =	sadd.s32 $0x22E00, s0;
	s20 =	smul.u32 $0x2800, s15  }
0xa: {  	s6 =	sshll.u32 s3, $0x4;
	s12 =	smul.u32 $0xC380, s3;
	s17 =	ssub.s32 $0x2, s3  }
0xb: {  	s3 =	smul.u32 $0x28000, s3;
	s9 =	sor.u32 s15, s6;
	s6 =	simm.s32 $0x0  }
0xc: {  	s14 =	sshrl.u32 s17, $0x1;
	s15 =	sadd.s32 s10, s5;
	s7 =	smul.u32 $0x2800, s9  }
0xd: {  	[smem:$0x7FF] =	sst s6;
	s12 =	sadd.s32 s10, s12;
	s9 =	sshll.u32 s9, $0x1  }
0xe: {  	s17 =	ssub.s32 s17, s14;
	s14 =	sadd.s32 s10, s4;
	s23 =	sadd.s32 s20, s3  }
0xf: {  	s3 =	simm.s32 $0x7C80;
	_ =	strace $0x80000047;
	[dreg:$0xa] =	wrdreg s13  }
0x10: {  	s12 =	sshrl.u32 s12, $0x3;
	s9 =	sadd.s32 s9, s0;
	[dreg:$0x6] =	wrdreg s23  }
0x11: {  	s13 =	sadd.s32 s10, s2;
	s20 =	smax.u32 s17, $0x1;
	[dreg:$0x7] =	wrdreg s24  }
0x12: {  	s23 =	simm.s32 $0x7E80;
	s24 =	simm.s32 $0x80;
	[dreg:$0x8] =	wrdreg s25  }
0x13: {  	[dreg:$0x9] =	wrdreg s26;
	s25 =	simm.s32 $0x7980;
	s26 =	simm.s32 $0x7A00  }
0x14: {  	s11 =	sshrl.u32 s7, $0x3;
	s16 =	sadd.s32 s12, s0;
	s1 =	sadd.s32 s1, s12  }
0x15: {  	s7 =	sadd.s32 $0x3400, s0;
	[dreg:$0xe] =	wrdreg s1;
	s21 =	sadd.s32 $0x23000, s16  }
0x16: {  	s11 =	sadd.s32 s11, s0;
	s22 =	sadd.s32 $0x26200, s16;
	[dreg:$0xf] =	wrdreg s21  }
0x17: {  	s1 =	simm.s32 $0x7D00;
	s18 =	sadd.s32 $0x4E00, s11;
	[dreg:$0x10] =	wrdreg s22  }
0x18: {  	s19 =	sadd.s32 $0xEE00, s11;
	s11 =	sadd.s32 $0x18E00, s11;
	[dreg:$0xb] =	wrdreg s18  }
0x19: {  	s21 =	simm.s32 $0x1;
	s22 =	simm.s32 $0x7D80;
	[dreg:$0xc] =	wrdreg s19  }
0x1a: {  	v0 =	vimm.f32 $0.0e+00;
	[dreg:$0xd] =	wrdreg s11;
	s19 =	sadd.s32 $0x29400, s9;
	s9 =	simm.s32 $0x0  }
.LBB2_1:
0x1b: {  	s10 =	rddreg [dreg:$0xb]  }
0x1c: {  	[tilespmem:s6], [sflag:$0x1] =	stream.linear.gather [hbm4b:s10+s6], $0x2800, $0x38;
	[tilespmem:$0xAFA8] =	vst v63  }
0x1d: {  	_ =	swait.ge [sflag:s21], $0x2800  }
0x1e: {  	[sflag:s21] =	ssyncset.done $0x0  }
0x1f: {  	s10 =	simm.s32 $0x2800;
	s11 =	rddreg [dreg:$0xc];
	[sflag:s21] =	ssyncadd.s32 $0xFFFFD800  }
0x20: {  	[tilespmem:s10], [sflag:$0x1] =	stream.linear.gather [hbm4b:s11+s6], $0x2800, $0x38;
	[tilespmem:$0xAFA8] =	vst v63  }
0x21: {  	_ =	swait.ge [sflag:s21], $0x2800  }
0x22: {  	[sflag:s21] =	ssyncset.done $0x0  }
0x23: {  	s12 =	simm.s32 $0x5000;
	s17 =	rddreg [dreg:$0xd];
	[sflag:s21] =	ssyncadd.s32 $0xFFFFD800  }
0x24: {  	[tilespmem:s12], [sflag:$0x1] =	stream.linear.gather [hbm4b:s17+s6], $0x2800, $0x38;
	[tilespmem:$0xAFA8] =	vst v63  }
0x25: {  	_ =	swait.ge [sflag:s21], $0x2800  }
0x26: {  	[sflag:s21] =	ssyncset.done $0x0  }
0x27: {  	s18 =	rddreg [dreg:$0xa];
	[sflag:s21] =	ssyncadd.s32 $0xFFFFD800  }
0x28: {  	[tilespmem:s23], [sflag:$0x1] =	stream.linear.gather [hbm4b:s18+s6], $0xC80, $0x38;
	[tilespmem:$0xAFA8] =	vst v63  }
0x29: {  	_ =	swait.ge [sflag:s21], $0xC80  }
0x2a: {  	[sflag:s21] =	ssyncset.done $0x0  }
0x2b: {  	[sflag:s21] =	ssyncadd.s32 $0xFFFFF380  }
0x2c: {  	[spmem:s13] =	stream.linear.scatter [tilespmem:s23], [sflag:$0x1], $0xC38, $0x38;
	[tilespmem:$0xAFA8] =	vst v63  }
0x2d: {  	_ =	swait.ge [sflag:s21], $0xC38  }
0x2e: {  	[sflag:s21] =	ssyncset.done $0x0  }
0x2f: {  	[sflag:s21] =	ssyncadd.s32 $0xFFFFF3C8  }
0x30: {  	[spmem:s14] =	stream.linear.scatter [tilespmem:s23], [sflag:$0x1], $0xC38, $0x38;
	[tilespmem:$0xAFA8] =	vst v63  }
0x31: {  	_ =	swait.ge [sflag:s21], $0xC38  }
0x32: {  	[sflag:s21] =	ssyncset.done $0x0  }
0x33: {  	[sflag:s21] =	ssyncadd.s32 $0xFFFFF3C8  }
0x34: {  	[spmem:s15] =	stream.linear.scatter [tilespmem:s23], [sflag:$0x1], $0xC38, $0x38;
	[tilespmem:$0xAFA8] =	vst v63  }
0x35: {  	_ =	swait.ge [sflag:s21], $0xC38  }
0x36: {  	[sflag:s21] =	ssyncset.done $0x0  }
0x37: {  	[sflag:s21] =	ssyncadd.s32 $0xFFFFF3C8  }
0x38: {  	s16 =	simm.s32 $0x0;
	[tilespmem:$0x7E00] =	vst v0  }
0x39: {  	s11 =	simm.s32 $0x5040;
	s12 =	simm.s32 $0x0;
	[bflag:$0x0] =	sbarrier.arrive $0xFFFF  }
.LBB2_2:
0x3a: {  	s17 =	rddreg [dreg:$0x7]  }
0x3b: {  	[tilespmem:s17], [sflag:$0x1] =	stream.indirect.gather [hbm4b:s7+s24], $0x1, s12, s24, $0xb8;
	[tilespmem:$0xAFA8] =	vst v63  }
0x3c: {  	_ =	swait.ge [sflag:s21], $0x80  }
0x3d: {  	[sflag:s21] =	ssyncset.done $0x0  }
0x3e: {  	s18 =	rddreg [dreg:$0x8];
	[sflag:s21] =	ssyncadd.s32 $0xFFFFFF80  }
0x3f: {  	[tilespmem:s18], [sflag:$0x1] =	stream.indirect.gather [hbm4b:s8+s24], $0x1, s12, s24, $0xb8;
	[tilespmem:$0xAFA8] =	vst v63  }
0x40: {  	_ =	swait.ge [sflag:s21], $0x80  }
0x41: {  	[sflag:s21] =	ssyncset.done $0x0  }
0x42: {  	s18 =	rddreg [dreg:$0x9];
	[sflag:s21] =	ssyncadd.s32 $0xFFFFFF80  }
0x43: {  	[tilespmem:s18], [sflag:$0x1] =	stream.indirect.gather [hbm4b:s0+s24], $0x1, s12, s24, $0xb8;
	[tilespmem:$0xAFA8] =	vst v63  }
0x44: {  	_ =	swait.ge [sflag:s21], $0x80  }
0x45: {  	[sflag:s21] =	ssyncset.done $0x0  }
0x46: {  	[sflag:s21] =	ssyncadd.s32 $0xFFFFFF80  }
0x47: {  	[tilespmem:s25], [sflag:$0x1] =	stream.indirect.gather [hbm4b:s7+s24], $0x1, s10, s24, $0xb8;
	[tilespmem:$0xAFA8] =	vst v63  }
0x48: {  	_ =	swait.ge [sflag:s21], $0x80  }
0x49: {  	[sflag:s21] =	ssyncset.done $0x0  }
0x4a: {  	[sflag:s21] =	ssyncadd.s32 $0xFFFFFF80  }
0x4b: {  	[tilespmem:s26], [sflag:$0x1] =	stream.indirect.gather [hbm4b:s8+s24], $0x1, s10, s24, $0xb8;
	[tilespmem:$0xAFA8] =	vst v63  }
0x4c: {  	_ =	swait.ge [sflag:s21], $0x80  }
0x4d: {  	[sflag:s21] =	ssyncset.done $0x0  }
0x4e: {  	[sflag:s21] =	ssyncadd.s32 $0xFFFFFF80  }
0x4f: {  	[tilespmem:s28], [sflag:$0x1] =	stream.indirect.gather [hbm4b:s0+s24], $0x1, s10, s24, $0xb8;
	[tilespmem:$0xAFA8] =	vst v63  }
0x50: {  	_ =	swait.ge [sflag:s21], $0x80  }
0x51: {  	[sflag:s21] =	ssyncset.done $0x0  }
0x52: {  	[sflag:s21] =	ssyncadd.s32 $0xFFFFFF80  }
0x53: {  	v1 =	vld [tilespmem:$0x7800]  }
0x54: {  	v2 =	vld [tilespmem:$0x7980]  }
0x55: {  	v3 =	vld [tilespmem:$0x7880]  }
0x56: {  	v4 =	vld [tilespmem:$0x7A00]  }
0x57: {  	v5 =	vld [tilespmem:$0x7900]  }
0x58: {  	v6 =	vld [tilespmem:$0x7A80];
	_ =	sdelay $0x2  }
0x59: {  	v1 =	vsub.f32 v1, v2;
	v2 =	vsub.f32 v3, v4;
	_ =	sdelay $0x1  }
0x5a: {  	v3 =	vsub.f32 v5, v6;
	v50 =	vmul.f32 v1, v1;
	v51 =	vmul.f32 v2, v2;
	_ =	sdelay $0x1  }
0x5b: {  	v52 =	vmul.f32 v3, v3;
	v4 =	vadd.f32 v51, v50;
	_ =	sdelay $0x1  }
0x5c: {  	v4 =	vadd.f32 v52, v4;
	_ =	sdelay $0x1  }
0x5d: {  	v5 =	vshrl.u32 v4, $0x1;
	v53 =	vmul.f32 $5.000000000e-01, v4  }
0x5e: {  	v5 =	vsub.s32 $0x5F3759DF, v5  }
0x5f: {  	v7 =	vmul.f32 v5, v53;
	_ =	sdelay $0x1  }
0x60: {  	v7 =	vmul.f32 v5, v7  }
0x61: {  	v8 =	vld [tilespmem:$0x7810]  }
0x62: {  	v54 =	vld [tilespmem:$0x7990];
	v7 =	vsub.f32 $1.500000000e+00, v7  }
0x63: {  	v9 =	vld [tilespmem:$0x7890]  }
0x64: {  	v11 =	vld [tilespmem:$0x7A10];
	v5 =	vmul.f32 v5, v7  }
0x65: {  	v12 =	vld [tilespmem:$0x7910]  }
0x66: {  	v13 =	vld [tilespmem:$0x7A90];
	v10 =	vmul.f32 v5, v53;
	_ =	sdelay $0x1  }
0x67: {  	v10 =	vmul.f32 v10, v5  }
0x68: {  	v55 =	vsub.f32 v9, v11;
	v7 =	vsub.f32 v8, v54  }
0x69: {  	v10 =	vsub.f32 $1.500000000e+00, v10  }
0x6a: {  	v56 =	vsub.f32 v12, v13;
	v11 =	vmul.f32 v55, v55;
	v57 =	vmul.f32 v7, v7  }
0x6b: {  	v5 =	vmul.f32 v10, v5  }
0x6c: {  	v58 =	vmul.f32 v56, v56;
	v10 =	vadd.f32 v11, v57  }
0x6d: {  	v6 =	vmul.f32 v5, v53  }
0x6e: {  	v10 =	vadd.f32 v58, v10  }
0x6f: {  	v6 =	vmul.f32 v6, v5  }
0x70: {  	v11 =	vshrl.u32 v10, $0x1;
	v59 =	vmul.f32 $5.000000000e-01, v10  }
0x71: {  	v11 =	vsub.s32 $0x5F3759DF, v11;
	v6 =	vsub.f32 $1.500000000e+00, v6  }
0x72: {  	v60 =	vld [tilespmem:s11+$0xFFFFFFC0];
	v61 =	vmul.f32 v11, v59  }
0x73: {  	v5 =	vmul.f32 v6, v5  }
0x74: {  	v14 =	vld [tilespmem:$0x7E00];
	v6 =	vmul.f32 v11, v61  }
0x75: {  	v15 =	vld [tilespmem:$0x7820];
	v4 =	vmul.f32 v5, v4  }
0x76: {  	v62 =	vld [tilespmem:$0x79A0];
	v6 =	vsub.f32 $1.500000000e+00, v6  }
0x77: {  	v16 =	vld [tilespmem:$0x78A0];
	v4 =	vsub.f32 v4, v60  }
0x78: {  	v63 =	vld [tilespmem:$0x7A20];
	v6 =	vmul.f32 v11, v6  }
0x79: {  	v19 =	vld [tilespmem:$0x7920];
	v17 =	vmul.f32 $2.000000000e+01, v4  }
0x7a: {  	s18 =	rddreg [dreg:$0x6];
	v20 =	vld [tilespmem:$0x7AA0];
	v18 =	vmul.f32 $4.000000000e+01, v4;
	v24 =	vmul.f32 v6, v59  }
0x7b: {  	s17 =	sadd.s32 s16, s18;
	v13 =	vsub.f32 v15, v62;
	v4 =	vmul.f32 v17, v4  }
0x7c: {  	p0 =	slt.u32 s17, $0x4E070;
	v5 =	vmul.f32 v18, v5;
	v17 =	vmul.f32 v24, v6  }
0x7d: {  	v26 =	vmul.f32 v13, v13;
	v11 =	vsub.f32 v16, v63;
	v4 =	vpsel !p0, $0x0, v4  }
0x7e: {  	v5 =	vpsel !p0, $0x0, v5;
	v25 =	vsub.f32 $1.500000000e+00, v17;
	v4 =	vadd.f32 v4, v14  }
0x7f: {  	v15 =	vsub.f32 v19, v20;
	v27 =	vmul.f32 v11, v11;
	v1 =	vmul.f32 v5, v1  }
0x80: {  	v2 =	vmul.f32 v5, v2;
	v28 =	vmul.f32 v25, v6;
	[tilespmem:$0x7E00] =	vst v4  }
0x81: {  	v30 =	vmul.f32 v15, v15;
	v29 =	vadd.f32 v27, v26;
	v3 =	vmul.f32 v5, v3;
	[tilespmem:$0x7B00] =	vst v1  }
0x82: {  	[tilespmem:$0x7B80] =	vst v2;
	v1 =	vsub.f32 $0.0e+00, v1;
	v12 =	vmul.f32 v28, v59  }
0x83: {  	v5 =	vadd.f32 v30, v29;
	[tilespmem:$0x7C00] =	vst v3;
	v2 =	vsub.f32 $0.0e+00, v2  }
0x84: {  	[tilespmem:$0x7C80] =	vst v1;
	v1 =	vsub.f32 $0.0e+00, v3;
	v3 =	vmul.f32 v12, v28  }
0x85: {  	v6 =	vmul.f32 $5.000000000e-01, v5;
	[tilespmem:$0x7D00] =	vst v2;
	v2 =	vshrl.u32 v5, $0x1  }
0x86: {  	v2 =	vsub.s32 $0x5F3759DF, v2;
	[tilespmem:$0x7D80] =	vst v1;
	v1 =	vsub.f32 $1.500000000e+00, v3  }
0x87: {  	v31 =	vmul.f32 v2, v6;
	v3 =	vld [tilespmem:s11+$0xFFFFFFD0]  }
0x88: {  	v1 =	vmul.f32 v1, v28  }
0x89: {  	v32 =	vmul.f32 v2, v31  }
0x8a: {  	v34 =	vld [tilespmem:$0x7830];
	v10 =	vmul.f32 v1, v10  }
0x8b: {  	v37 =	vld [tilespmem:$0x78B0];
	v4 =	vsub.f32 $1.500000000e+00, v32  }
0x8c: {  	v40 =	vld [tilespmem:$0x7A30];
	v3 =	vsub.f32 v10, v3  }
0x8d: {  	v35 =	vld [tilespmem:$0x79B0];
	v2 =	vmul.f32 v2, v4  }
0x8e: {  	v33 =	vld [tilespmem:$0x7E00];
	v36 =	vmul.f32 $2.000000000e+01, v3  }
0x8f: {  	v41 =	vld [tilespmem:$0x7930];
	v39 =	vmul.f32 v2, v6  }
0x90: {  	s18 =	sadd.s32 $0x10, s17;
	v43 =	vld [tilespmem:$0x7AB0];
	v38 =	vmul.f32 $4.000000000e+01, v3;
	v3 =	vmul.f32 v36, v3  }
0x91: {  	p6 =	slt.u32 s18, $0x4E070;
	v45 =	vsub.f32 v37, v40;
	v42 =	vmul.f32 v39, v2  }
0x92: {  	v4 =	vsub.f32 v34, v35;
	v1 =	vmul.f32 v38, v1;
	v3 =	vpsel !p6, $0x0, v3  }
0x93: {  	v44 =	vsub.f32 $1.500000000e+00, v42;
	v3 =	vadd.f32 v3, v33  }
0x94: {  	v47 =	vmul.f32 v45, v45;
	v46 =	vmul.f32 v4, v4;
	v1 =	vpsel !p6, $0x0, v1  }
0x95: {  	v7 =	vmul.f32 v1, v7;
	v2 =	vmul.f32 v44, v2;
	[tilespmem:$0x7E00] =	vst v3;
	v3 =	vsub.f32 v41, v43  }
0x96: {  	v8 =	vmul.f32 v1, v55;
	v1 =	vmul.f32 v1, v56  }
0x97: {  	v48 =	vadd.f32 v47, v46;
	[tilespmem:$0x7B10] =	vst v7;
	v6 =	vmul.f32 v2, v6;
	v49 =	vmul.f32 v3, v3  }
0x98: {  	v7 =	vsub.f32 $0.0e+00, v7;
	[tilespmem:$0x7B90] =	vst v8  }
0x99: {  	[tilespmem:$0x7C10] =	vst v1;
	v1 =	vsub.f32 $0.0e+00, v1;
	v6 =	vmul.f32 v6, v2;
	v50 =	vadd.f32 v49, v48  }
0x9a: {  	v8 =	vsub.f32 $0.0e+00, v8;
	[tilespmem:$0x7C90] =	vst v7  }
0x9b: {  	[tilespmem:$0x7D90] =	vst v1;
	v1 =	vsub.f32 $1.500000000e+00, v6;
	v51 =	vshrl.u32 v50, $0x1;
	v52 =	vmul.f32 $5.000000000e-01, v50  }
0x9c: {  	[tilespmem:$0x7D10] =	vst v8;
	v6 =	vsub.s32 $0x5F3759DF, v51  }
0x9d: {  	v53 =	vld [tilespmem:s11+$0xFFFFFFE0];
	v1 =	vmul.f32 v1, v2;
	v2 =	vmul.f32 v6, v52;
	_ =	sdelay $0x1  }
0x9e: {  	v57 =	vld [tilespmem:$0x78C0];
	v2 =	vmul.f32 v6, v2  }
0x9f: {  	v55 =	vld [tilespmem:$0x7840];
	v5 =	vmul.f32 v1, v5  }
0xa0: {  	v56 =	vld [tilespmem:$0x79C0];
	v2 =	vsub.f32 $1.500000000e+00, v2  }
0xa1: {  	v61 =	vld [tilespmem:$0x7940];
	v5 =	vsub.f32 v5, v53  }
0xa2: {  	v59 =	vld [tilespmem:$0x7A40];
	v2 =	vmul.f32 v6, v2  }
0xa3: {  	v54 =	vld [tilespmem:$0x7E00];
	v58 =	vmul.f32 $2.000000000e+01, v5  }
0xa4: {  	v63 =	vld [tilespmem:$0x7AC0];
	v60 =	vmul.f32 $4.000000000e+01, v5;
	v62 =	vmul.f32 v2, v52  }
0xa5: {  	s18 =	sadd.s32 $0x20, s17;
	v9 =	vsub.f32 v55, v56;
	v5 =	vmul.f32 v58, v5  }
0xa6: {  	p1 =	slt.u32 s18, $0x4E070;
	v1 =	vmul.f32 v60, v1;
	v17 =	vmul.f32 v62, v2  }
0xa7: {  	v23 =	vmul.f32 v9, v9;
	v6 =	vsub.f32 v57, v59;
	v5 =	vpsel !p1, $0x0, v5  }
0xa8: {  	v1 =	vpsel !p1, $0x0, v1;
	v5 =	vadd.f32 v5, v54;
	v22 =	vsub.f32 $1.500000000e+00, v17  }
0xa9: {  	v14 =	vsub.f32 v61, v63;
	v24 =	vmul.f32 v6, v6;
	v21 =	vmul.f32 v1, v13  }
0xaa: {  	v25 =	vmul.f32 v1, v11;
	[tilespmem:$0x7E00] =	vst v5;
	v2 =	vmul.f32 v22, v2  }
0xab: {  	v27 =	vmul.f32 v14, v14;
	v1 =	vmul.f32 v1, v15;
	v26 =	vadd.f32 v24, v23;
	[tilespmem:$0x7B20] =	vst v21  }
0xac: {  	[tilespmem:$0x7BA0] =	vst v25;
	v12 =	vsub.f32 $0.0e+00, v21;
	v8 =	vmul.f32 v2, v52  }
0xad: {  	[tilespmem:$0x7C20] =	vst v1;
	v5 =	vsub.f32 $0.0e+00, v25;
	v11 =	vadd.f32 v27, v26  }
0xae: {  	v1 =	vsub.f32 $0.0e+00, v1;
	[tilespmem:$0x7CA0] =	vst v12;
	v8 =	vmul.f32 v8, v2  }
0xaf: {  	[tilespmem:$0x7D20] =	vst v5;
	v28 =	vshrl.u32 v11, $0x1;
	v29 =	vmul.f32 $5.000000000e-01, v11  }
0xb0: {  	[tilespmem:$0x7DA0] =	vst v1;
	v5 =	vsub.s32 $0x5F3759DF, v28;
	v1 =	vsub.f32 $1.500000000e+00, v8  }
0xb1: {  	v30 =	vld [tilespmem:s11+$0xFFFFFFF0];
	v31 =	vmul.f32 v5, v29  }
0xb2: {  	v1 =	vmul.f32 v1, v2  }
0xb3: {  	v2 =	vmul.f32 v5, v31  }
0xb4: {  	v39 =	vld [tilespmem:$0x7A50];
	v7 =	vmul.f32 v1, v50  }
0xb5: {  	v36 =	vld [tilespmem:$0x78D0];
	v2 =	vsub.f32 $1.500000000e+00, v2  }
0xb6: {  	v34 =	vld [tilespmem:$0x79D0];
	v7 =	vsub.f32 v7, v30  }
0xb7: {  	v33 =	vld [tilespmem:$0x7850];
	v2 =	vmul.f32 v5, v2  }
0xb8: {  	v32 =	vld [tilespmem:$0x7E00];
	v35 =	vmul.f32 $2.000000000e+01, v7  }
0xb9: {  	v40 =	vld [tilespmem:$0x7950];
	v37 =	vmul.f32 $4.000000000e+01, v7;
	v38 =	vmul.f32 v2, v29  }
0xba: {  	s18 =	sadd.s32 $0x30, s17;
	v42 =	vld [tilespmem:$0x7AD0];
	v44 =	vsub.f32 v36, v39;
	v7 =	vmul.f32 v35, v7  }
0xbb: {  	p2 =	slt.u32 s18, $0x4E070;
	v1 =	vmul.f32 v37, v1;
	v41 =	vmul.f32 v38, v2  }
0xbc: {  	v46 =	vmul.f32 v44, v44;
	v5 =	vsub.f32 v33, v34;
	v7 =	vpsel !p2, $0x0, v7  }
0xbd: {  	v1 =	vpsel !p2, $0x0, v1;
	v43 =	vsub.f32 $1.500000000e+00, v41;
	v7 =	vadd.f32 v7, v32  }
0xbe: {  	v4 =	vmul.f32 v1, v4;
	v10 =	vmul.f32 v1, v45  }
0xbf: {  	v45 =	vmul.f32 v5, v5;
	v2 =	vmul.f32 v43, v2;
	[tilespmem:$0x7E00] =	vst v7;
	v7 =	vsub.f32 v40, v42  }
0xc0: {  	v1 =	vmul.f32 v1, v3;
	v3 =	vsub.f32 $0.0e+00, v4  }
0xc1: {  	[tilespmem:$0x7B30] =	vst v4;
	v48 =	vadd.f32 v46, v45;
	v47 =	vmul.f32 v2, v29;
	v49 =	vmul.f32 v7, v7  }
0xc2: {  	[tilespmem:$0x7C30] =	vst v1  }
0xc3: {  	v1 =	vsub.f32 $0.0e+00, v1;
	[tilespmem:$0x7CB0] =	vst v3;
	v3 =	vmul.f32 v47, v2;
	v50 =	vadd.f32 v49, v48  }
0xc4: {  	[tilespmem:$0x7BB0] =	vst v10;
	v10 =	vsub.f32 $0.0e+00, v10  }
0xc5: {  	[tilespmem:$0x7DB0] =	vst v1;
	v1 =	vsub.f32 $1.500000000e+00, v3;
	v3 =	vshrl.u32 v50, $0x1;
	v51 =	vmul.f32 $5.000000000e-01, v50  }
0xc6: {  	[tilespmem:$0x7D30] =	vst v10;
	v3 =	vsub.s32 $0x5F3759DF, v3  }
0xc7: {  	v52 =	vld [tilespmem:s11+$0x0];
	v1 =	vmul.f32 v1, v2;
	v2 =	vmul.f32 v3, v51;
	_ =	sdelay $0x1  }
0xc8: {  	v61 =	vld [tilespmem:$0x7AE0];
	v2 =	vmul.f32 v3, v2  }
0xc9: {  	v55 =	vld [tilespmem:$0x79E0];
	v11 =	vmul.f32 v1, v11  }
0xca: {  	v54 =	vld [tilespmem:$0x7860];
	v2 =	vsub.f32 $1.500000000e+00, v2  }
0xcb: {  	v56 =	vld [tilespmem:$0x78E0];
	v11 =	vsub.f32 v11, v52  }
0xcc: {  	v2 =	vmul.f32 v3, v2;
	v3 =	vld [tilespmem:$0x7A60]  }
0xcd: {  	v53 =	vld [tilespmem:$0x7E00];
	v57 =	vmul.f32 $2.000000000e+01, v11  }
0xce: {  	v59 =	vld [tilespmem:$0x7960];
	v58 =	vmul.f32 $4.000000000e+01, v11;
	v60 =	vmul.f32 v2, v51  }
0xcf: {  	s18 =	sadd.s32 $0x40, s17;
	v12 =	vsub.f32 v54, v55;
	v11 =	vmul.f32 v57, v11  }
0xd0: {  	p3 =	slt.u32 s18, $0x4E070;
	v1 =	vmul.f32 v58, v1;
	v17 =	vmul.f32 v60, v2  }
0xd1: {  	v21 =	vmul.f32 v12, v12;
	v11 =	vpsel !p3, $0x0, v11;
	v3 =	vsub.f32 v56, v3  }
0xd2: {  	v1 =	vpsel !p3, $0x0, v1;
	v11 =	vadd.f32 v11, v53;
	v62 =	vsub.f32 $1.500000000e+00, v17  }
0xd3: {  	v63 =	vsub.f32 v59, v61;
	v9 =	vmul.f32 v1, v9;
	v22 =	vmul.f32 v3, v3  }
0xd4: {  	v6 =	vmul.f32 v1, v6;
	[tilespmem:$0x7E00] =	vst v11;
	v2 =	vmul.f32 v62, v2  }
0xd5: {  	v24 =	vmul.f32 v63, v63;
	v1 =	vmul.f32 v1, v14;
	[tilespmem:$0x7B40] =	vst v9;
	v23 =	vadd.f32 v22, v21  }
0xd6: {  	[tilespmem:$0x7BC0] =	vst v6;
	v9 =	vsub.f32 $0.0e+00, v9;
	v10 =	vmul.f32 v2, v51  }
0xd7: {  	[tilespmem:$0x7C40] =	vst v1;
	v6 =	vsub.f32 $0.0e+00, v6;
	v11 =	vadd.f32 v24, v23  }
0xd8: {  	v1 =	vsub.f32 $0.0e+00, v1;
	[tilespmem:$0x7CC0] =	vst v9;
	v25 =	vmul.f32 v10, v2  }
0xd9: {  	[tilespmem:$0x7D40] =	vst v6;
	v26 =	vshrl.u32 v11, $0x1;
	v27 =	vmul.f32 $5.000000000e-01, v11  }
0xda: {  	[tilespmem:$0x7DC0] =	vst v1;
	v1 =	vsub.f32 $1.500000000e+00, v25;
	v6 =	vsub.s32 $0x5F3759DF, v26  }
0xdb: {  	v28 =	vld [tilespmem:s11+$0x10];
	v29 =	vmul.f32 v6, v27  }
0xdc: {  	v1 =	vmul.f32 v1, v2  }
0xdd: {  	v36 =	vld [tilespmem:$0x7970];
	v13 =	vmul.f32 v6, v29  }
0xde: {  	v31 =	vld [tilespmem:$0x79F0];
	v4 =	vmul.f32 v1, v50  }
0xdf: {  	v30 =	vld [tilespmem:$0x7870];
	v13 =	vsub.f32 $1.500000000e+00, v13  }
0xe0: {  	v33 =	vld [tilespmem:$0x7A70];
	v4 =	vsub.f32 v4, v28  }
0xe1: {  	v32 =	vld [tilespmem:$0x78F0];
	v6 =	vmul.f32 v6, v13  }
0xe2: {  	v2 =	vld [tilespmem:$0x7E00];
	v34 =	vmul.f32 $2.000000000e+01, v4  }
0xe3: {  	v21 =	vld [tilespmem:$0x7AF0];
	v35 =	vmul.f32 $4.000000000e+01, v4;
	v37 =	vmul.f32 v6, v27  }
0xe4: {  	s18 =	sadd.s32 $0x50, s17;
	v14 =	vsub.f32 v30, v31;
	v4 =	vmul.f32 v34, v4  }
0xe5: {  	p4 =	slt.u32 s18, $0x4E070;
	v1 =	vmul.f32 v35, v1;
	v38 =	vmul.f32 v37, v6  }
0xe6: {  	v42 =	vmul.f32 v14, v14;
	v9 =	vsub.f32 v32, v33;
	v4 =	vpsel !p4, $0x0, v4  }
0xe7: {  	v1 =	vpsel !p4, $0x0, v1;
	v2 =	vadd.f32 v4, v2;
	v40 =	vsub.f32 $1.500000000e+00, v38  }
0xe8: {  	v43 =	vmul.f32 v9, v9;
	v41 =	vsub.f32 v36, v21;
	v39 =	vmul.f32 v1, v5  }
0xe9: {  	v44 =	vmul.f32 v1, v44;
	[tilespmem:$0x7E00] =	vst v2;
	v2 =	vmul.f32 v40, v6  }
0xea: {  	v45 =	vadd.f32 v43, v42;
	v46 =	vmul.f32 v41, v41;
	v1 =	vmul.f32 v1, v7;
	[tilespmem:$0x7B50] =	vst v39  }
0xeb: {  	[tilespmem:$0x7BD0] =	vst v44;
	v4 =	vsub.f32 $0.0e+00, v39;
	v47 =	vmul.f32 v2, v27  }
0xec: {  	[tilespmem:$0x7C50] =	vst v1;
	v5 =	vsub.f32 $0.0e+00, v44;
	v6 =	vadd.f32 v46, v45  }
0xed: {  	v1 =	vsub.f32 $0.0e+00, v1;
	[tilespmem:$0x7CD0] =	vst v4;
	v48 =	vmul.f32 v47, v2  }
0xee: {  	[tilespmem:$0x7D50] =	vst v5;
	v49 =	vshrl.u32 v6, $0x1;
	v7 =	vmul.f32 $5.000000000e-01, v6  }
0xef: {  	[tilespmem:$0x7DD0] =	vst v1;
	v50 =	vsub.s32 $0x5F3759DF, v49;
	v1 =	vsub.f32 $1.500000000e+00, v48  }
0xf0: {  	v51 =	vld [tilespmem:s11+$0x20];
	v52 =	vmul.f32 v50, v7  }
0xf1: {  	v1 =	vmul.f32 v1, v2  }
0xf2: {  	v2 =	vmul.f32 v50, v52  }
0xf3: {  	v53 =	vmul.f32 v1, v11  }
0xf4: {  	v2 =	vsub.f32 $1.500000000e+00, v2  }
0xf5: {  	v5 =	vsub.f32 v53, v51  }
0xf6: {  	v2 =	vmul.f32 v50, v2  }
0xf7: {  	v55 =	vld [tilespmem:$0x7E00];
	v54 =	vmul.f32 $2.000000000e+01, v5  }
0xf8: {  	v56 =	vmul.f32 $4.000000000e+01, v5;
	v57 =	vmul.f32 v2, v7  }
0xf9: {  	s18 =	sadd.s32 $0x60, s17;
	v4 =	vmul.f32 v54, v5  }
0xfa: {  	p5 =	slt.u32 s18, $0x4E070;
	v1 =	vmul.f32 v56, v1;
	v58 =	vmul.f32 v57, v2  }
0xfb: {  	v4 =	vpsel !p5, $0x0, v4  }
0xfc: {  	v1 =	vpsel !p5, $0x0, v1;
	v5 =	vsub.f32 $1.500000000e+00, v58;
	v4 =	vadd.f32 v4, v55  }
0xfd: {  	v59 =	vmul.f32 v1, v12  }
0xfe: {  	v3 =	vmul.f32 v1, v3;
	v2 =	vmul.f32 v5, v2;
	[tilespmem:$0x7E00] =	vst v4  }
0xff: {  	v1 =	vmul.f32 v1, v63;
	[tilespmem:$0x7B60] =	vst v59  }
0x100: {  	v60 =	vsub.f32 $0.0e+00, v59;
	[tilespmem:$0x7BE0] =	vst v3;
	v61 =	vmul.f32 v2, v7  }
0x101: {  	v3 =	vsub.f32 $0.0e+00, v3;
	[tilespmem:$0x7C60] =	vst v1  }
0x102: {  	v1 =	vsub.f32 $0.0e+00, v1;
	[tilespmem:$0x7CE0] =	vst v60;
	v4 =	vmul.f32 v61, v2  }
0x103: {  	[tilespmem:$0x7D60] =	vst v3  }
0x104: {  	[tilespmem:$0x7DE0] =	vst v1;
	v1 =	vsub.f32 $1.500000000e+00, v4  }
0x105: {  	v3 =	vld [tilespmem:s11+$0x30]  }
0x106: {  	v1 =	vmul.f32 v1, v2;
	_ =	sdelay $0x1  }
0x107: {  	v2 =	vmul.f32 v1, v6;
	_ =	sdelay $0x1  }
0x108: {  	v2 =	vsub.f32 v2, v3;
	_ =	sdelay $0x1  }
0x109: {  	v62 =	vld [tilespmem:$0x7E00];
	v3 =	vmul.f32 $2.000000000e+01, v2  }
0x10a: {  	v63 =	vmul.f32 $4.000000000e+01, v2  }
0x10b: {  	s17 =	sadd.s32 $0x70, s17;
	v2 =	vmul.f32 v3, v2  }
0x10c: {  	p6 =	slt.u32 s17, $0x4E070;
	v1 =	vmul.f32 v63, v1  }
0x10d: {  	v2 =	vpsel !p6, $0x0, v2  }
0x10e: {  	v1 =	vpsel !p6, $0x0, v1;
	v2 =	vadd.f32 v2, v62  }
0x10f: {  	v3 =	vmul.f32 v1, v14  }
0x110: {  	[tilespmem:$0x7E00] =	vst v2;
	v2 =	vmul.f32 v1, v9  }
0x111: {  	v1 =	vmul.f32 v1, v41;
	[tilespmem:$0x7B70] =	vst v3  }
0x112: {  	v3 =	vsub.f32 $0.0e+00, v3;
	[tilespmem:$0x7BF0] =	vst v2  }
0x113: {  	[tilespmem:$0x7C70] =	vst v1;
	v2 =	vsub.f32 $0.0e+00, v2  }
0x114: {  	[tilespmem:$0x7CF0] =	vst v3;
	v1 =	vsub.f32 $0.0e+00, v1  }
0x115: {  	[tilespmem:$0x7D70] =	vst v2  }
0x116: {  	[tilespmem:$0x7DF0] =	vst v1  }
0x117: {  	[spmem:s2] =	stream.indirect.scatter.add.f32 [tilespmem:s29], [sflag:$0x1], $0x1, s12, s24, $0xb8;
	[tilespmem:$0xAFA8] =	vst v63  }
0x118: {  	_ =	swait.ge [sflag:s21], $0x80  }
0x119: {  	[sflag:s21] =	ssyncset.done $0x0  }
0x11a: {  	[sflag:s21] =	ssyncadd.s32 $0xFFFFFF80  }
0x11b: {  	[spmem:s4] =	stream.indirect.scatter.add.f32 [tilespmem:s30], [sflag:$0x1], $0x1, s12, s24, $0xb8;
	[tilespmem:$0xAFA8] =	vst v63  }
0x11c: {  	_ =	swait.ge [sflag:s21], $0x80  }
0x11d: {  	[sflag:s21] =	ssyncset.done $0x0  }
0x11e: {  	[sflag:s21] =	ssyncadd.s32 $0xFFFFFF80  }
0x11f: {  	[spmem:s5] =	stream.indirect.scatter.add.f32 [tilespmem:s31], [sflag:$0x1], $0x1, s12, s24, $0xb8;
	[tilespmem:$0xAFA8] =	vst v63  }
0x120: {  	_ =	swait.ge [sflag:s21], $0x80  }
0x121: {  	[sflag:s21] =	ssyncset.done $0x0  }
0x122: {  	[sflag:s21] =	ssyncadd.s32 $0xFFFFFF80  }
0x123: {  	[spmem:s2] =	stream.indirect.scatter.add.f32 [tilespmem:s3], [sflag:$0x1], $0x1, s10, s24, $0xb8;
	[tilespmem:$0xAFA8] =	vst v63  }
0x124: {  	_ =	swait.ge [sflag:s21], $0x80  }
0x125: {  	[sflag:s21] =	ssyncset.done $0x0  }
0x126: {  	[sflag:s21] =	ssyncadd.s32 $0xFFFFFF80  }
0x127: {  	[spmem:s4] =	stream.indirect.scatter.add.f32 [tilespmem:s1], [sflag:$0x1], $0x1, s10, s24, $0xb8;
	[tilespmem:$0xAFA8] =	vst v63  }
0x128: {  	_ =	swait.ge [sflag:s21], $0x80  }
0x129: {  	p0 =	sne.s32 s16, $0x2780;
	[sflag:s21] =	ssyncset.done $0x0  }
.Ltmp0:
0x12a: {  	[sflag:s21] =	ssyncadd.s32 $0xFFFFFF80;
	(pc) =	sbr.rel @p0 .LBB2_2-.Ltmp0, $4  }
0x12b: {  	[spmem:s5] =	stream.indirect.scatter.add.f32 [tilespmem:s22], [sflag:$0x1], $0x1, s10, s24, $0xb8;
	[tilespmem:$0xAFA8] =	vst v63  }
0x12c: {  	_ =	swait.ge [sflag:s21], $0x80  }
0x12d: {  	s16 =	sadd.s32 $0x80, s16;
	s11 =	sadd.s32 $0x80, s11;
	[sflag:s21] =	ssyncset.done $0x0  }
0x12e: {  	s12 =	sadd.s32 $0x80, s12;
	s10 =	sadd.s32 $0x80, s10;
	[sflag:s21] =	ssyncadd.s32 $0xFFFFFF80  }
0x12f: {  	[bflag:$0x0] =	sbarrier.arrive $0xFFFF  }
0x130: {  	[tilespmem:s23], [sflag:$0x1] =	stream.linear.gather [spmem:s13], $0xC38, $0x38;
	[tilespmem:$0xAFA8] =	vst v63  }
0x131: {  	_ =	swait.ge [sflag:s21], $0xC38  }
0x132: {  	[sflag:s21] =	ssyncset.done $0x0  }
0x133: {  	s10 =	rddreg [dreg:$0xe];
	[sflag:s21] =	ssyncadd.s32 $0xFFFFF3C8  }
0x134: {  	[hbm4b:s10+s6] =	stream.linear.scatter [tilespmem:s23], [sflag:$0x1], $0xC38, $0x38;
	[tilespmem:$0xAFA8] =	vst v63  }
0x135: {  	_ =	swait.ge [sflag:s21], $0xC38  }
0x136: {  	[sflag:s21] =	ssyncset.done $0x0  }
0x137: {  	[sflag:s21] =	ssyncadd.s32 $0xFFFFF3C8  }
0x138: {  	[tilespmem:s23], [sflag:$0x1] =	stream.linear.gather [spmem:s14], $0xC38, $0x38;
	[tilespmem:$0xAFA8] =	vst v63  }
0x139: {  	_ =	swait.ge [sflag:s21], $0xC38  }
0x13a: {  	[sflag:s21] =	ssyncset.done $0x0  }
0x13b: {  	s16 =	rddreg [dreg:$0xf];
	[sflag:s21] =	ssyncadd.s32 $0xFFFFF3C8  }
0x13c: {  	[hbm4b:s16+s6] =	stream.linear.scatter [tilespmem:s23], [sflag:$0x1], $0xC38, $0x38;
	[tilespmem:$0xAFA8] =	vst v63  }
0x13d: {  	_ =	swait.ge [sflag:s21], $0xC38  }
0x13e: {  	[sflag:s21] =	ssyncset.done $0x0  }
0x13f: {  	[sflag:s21] =	ssyncadd.s32 $0xFFFFF3C8  }
0x140: {  	[tilespmem:s23], [sflag:$0x1] =	stream.linear.gather [spmem:s15], $0xC38, $0x38;
	[tilespmem:$0xAFA8] =	vst v63  }
0x141: {  	_ =	swait.ge [sflag:s21], $0xC38  }
0x142: {  	[sflag:s21] =	ssyncset.done $0x0  }
0x143: {  	s17 =	rddreg [dreg:$0x10];
	[sflag:s21] =	ssyncadd.s32 $0xFFFFF3C8  }
0x144: {  	[hbm4b:s17+s6] =	stream.linear.scatter [tilespmem:s23], [sflag:$0x1], $0xC38, $0x38;
	[tilespmem:$0xAFA8] =	vst v63  }
0x145: {  	s9 =	sadd.s32 $0x1, s9;
	_ =	swait.ge [sflag:s21], $0xC38  }
0x146: {  	p0 =	sne.s32 s9, s20;
	[sflag:s21] =	ssyncset.done $0x0  }
.Ltmp1:
0x147: {  	s18 =	simm.s32 $0x7E00;
	[sflag:s21] =	ssyncadd.s32 $0xFFFFF3C8;
	(pc) =	sbr.rel @p0 .LBB2_1-.Ltmp1, $4  }
0x148: {  	[hbm4b:s19+s6] =	stream.linear.scatter [tilespmem:s18], [sflag:$0x1], $0x10, $0x38;
	[tilespmem:$0xAFA8] =	vst v63  }
0x149: {  	_ =	swait.ge [sflag:s21], $0x10  }
0x14a: {  	[sflag:s21] =	ssyncset.done $0x0  }
0x14b: {  	[sflag:s21] =	ssyncadd.s32 $0xFFFFFFF0  }
0x14c: {  	_ =	sfence.sel $0x180000  }
0x14d: {  	[bflag:$0x0] =	sbarrier.arrive $0xFFFF  }
0x14e: {  	_ =	strace $0x90000047  }
0x14f: {  	s0 =	stileid.u32;
	[bflag:$0x2] =	sbarrier.arrive $0xFFFF  }
0x150: {  	p0 =	sne.s32 s0, $0x0;
	s0 =	rddreg [dreg:$0x5]  }
0x151: {  	s0 =	sadd.s32 @!p0 $0x100000, s0  }
0x152: {  	[sflag:s0] =	ssyncadd.tile.s32 @!p0 $0x1;
	_ =	shalt  }
.Lfunc_end2:
_tile_overlayer_lowered:
.L_overlay_start_2:
0x153: {  	(tag) =	ssettag $0x2  }
0x154: {  	s0 =	rddreg [dreg:$0x0];
	s2 =	stileid.u32  }
0x155: {  	s1 =	rddreg [dreg:$0x1];
	p0 =	sne.s32 s2, $0x0  }
0x156: {  	s3 =	rddreg [dreg:$0x2];
	[bflag:$0x3] =	sbarrier.arrive $0xFFFF;
	s2 =	simm.s32 @!p0 $0x1C01  }
0x157: {  	[timem:s3], [sflag:s2] =	dma.local @!p0 [hbm:s0], s1  }
0x158: {  	s0 =	simm.s32 @!p0 $0x1  }
0x159: {  	_ =	swait.ge @!p0 [sflag:s0], s1  }
0x15a: {  	s1 =	ssub.s32 @!p0 $0x0, s1;
	[sflag:s0] =	ssyncset.done @!p0 $0x0  }
0x15b: {  	[sflag:s0] =	ssyncadd.s32 @!p0 s1  }
0x15c: {  	[bflag:$0x3] =	sbarrier.arrive $0xFFFF  }
0x15d: {  	_ =	shalt  }

</sc_bundles>
